<compile_context>
chip_gen: v7x
topology: tpu7x:2x2x1
jax: 0.10.2.dev20260603
libtpu: 0.0.44.dev20260713+nightly
codegen_flags: <defaults>
</compile_context>

<pallas_src>
import dataclasses

import jax
import jax.numpy as jnp
from jax import lax
from jax.experimental import pallas as pl
from jax.experimental.pallas import tpu as pltpu
from jax.experimental.pallas import tpu_sc as plsc

N = 10000
E = 320000
F_IN = 128
H = 128
G = 64

NC = 2
NS = 16
NW = NC * NS
CHUNK = 128
CH = 79
EP = NW * CH * CHUNK
NP = 10240
RPT = NP // NS
BLK = 256
NBLK = NP // BLK


def _mesh():
    return plsc.VectorSubcoreMesh(
        core_axis_name="c", subcore_axis_name="s",
        num_cores=NC, num_subcores=NS)



def _sc_degree(dst_flat):

    def body(dst_hbm, out_hbm, dstb, accd, sem):
        cid = lax.axis_index("c")
        sid = lax.axis_index("s")
        wid = sid * NC + cid

        pltpu.sync_copy(dst_hbm.at[wid], dstb)

        zero = jnp.zeros((16,), jnp.float32)

        @pl.loop(0, NP // 16)
        def _z(i):
            accd[pl.ds(i * 16, 16)] = zero

        ones16 = jnp.ones((16,), jnp.float32)

        @pl.loop(0, EP // NW // 16)
        def _s(i):
            idx = dstb[pl.ds(i * 16, 16)]
            plsc.addupdate_scatter(accd, [idx], ones16)

        pltpu.sync_copy(accd, out_hbm.at[wid])

    cp = pltpu.CompilerParams()
    if "needs_layout_passes" in pltpu.CompilerParams.__dataclass_fields__:
        cp = dataclasses.replace(cp, needs_layout_passes=False)
    kern = pl.kernel(
        body,
        out_type=jax.ShapeDtypeStruct((NW, NP), jnp.float32),
        mesh=_mesh(),
        compiler_params=cp,
        scratch_types=[
            pltpu.VMEM((EP // NW,), jnp.int32),
            pltpu.VMEM((NP,), jnp.float32),
            pltpu.SemaphoreType.DMA,
        ],
    )
    return kern(dst_flat)


def _sc_scatter(hs, src_p, dst_p):

    def body(hs_hbm, src_hbm, dst_hbm, out_hbm, srcb, dstb, gbuf, acc, sem):
        cid = lax.axis_index("c")
        sid = lax.axis_index("s")
        wid = sid * NC + cid

        pltpu.sync_copy(src_hbm.at[wid], srcb)
        pltpu.sync_copy(dst_hbm.at[wid], dstb)

        zero = jnp.zeros((16,), jnp.float32)

        @pl.loop(0, CHUNK)
        def _z(r):
            @pl.loop(0, H // 16)
            def _zc(c):
                gbuf[r, pl.ds(c * 16, 16)] = zero

        @pl.loop(0, RPT // CHUNK)
        def _zi(i):
            pltpu.sync_copy(gbuf, acc.at[pl.ds(sid * RPT + i * CHUNK, CHUNK)])

        plsc.subcore_barrier()

        @pl.loop(0, CH)
        def _s(j):
            pltpu.async_copy(hs_hbm.at[srcb.at[j]], gbuf, sem).wait()
            pltpu.sync_copy(gbuf, acc.at[dstb.at[j]], add=True)

        plsc.subcore_barrier()

        pltpu.sync_copy(
            acc.at[pl.ds(sid * RPT, RPT)],
            out_hbm.at[cid].at[pl.ds(sid * RPT, RPT)],
        )

    kern = pl.kernel(
        body,
        out_type=jax.ShapeDtypeStruct((NC, NP, 128), jnp.float32),
        mesh=_mesh(),
        scratch_types=[
            pltpu.VMEM((CH, CHUNK), jnp.int32),
            pltpu.VMEM((CH, CHUNK), jnp.int32),
            pltpu.VMEM((CHUNK, 128), jnp.float32),
            pltpu.VMEM_SHARED((NP, 128), jnp.float32),
            pltpu.SemaphoreType.DMA,
        ],
    )
    return kern(hs, src_p, dst_p)



def _d_block(cnt):
    ones = jnp.ones((NW, 1), jnp.float32)
    deg = lax.dot_general(cnt, ones, (((0,), (0,)), ((), ())),
                          preferred_element_type=jnp.float32) + 1.0
    return lax.rsqrt(deg)


def _tc1_body(x_ref, w_ref, c_ref, o_ref):
    d = _d_block(c_ref[...])
    hw = jnp.dot(x_ref[...], w_ref[...], preferred_element_type=jnp.float32)
    o_ref[...] = d * hw


def _tc1(x_p, W1, cnt):
    return pl.pallas_call(
        _tc1_body,
        grid=(NBLK,),
        in_specs=[
            pl.BlockSpec((BLK, F_IN), lambda k: (k, 0)),
            pl.BlockSpec((F_IN, H), lambda k: (0, 0)),
            pl.BlockSpec((NW, BLK), lambda k: (0, k)),
        ],
        out_specs=pl.BlockSpec((BLK, H), lambda k: (k, 0)),
        out_shape=jax.ShapeDtypeStruct((NP, H), jnp.float32),
    )(x_p, W1, cnt)


def _tc2_body(p0_ref, p1_ref, hs_ref, c_ref, b_ref, w_ref, o_ref):
    d = _d_block(c_ref[...])
    h = jax.nn.relu(d * (p0_ref[0] + p1_ref[0] + hs_ref[...])
                    + b_ref[0:1, :])
    hw = jnp.dot(h, w_ref[...], preferred_element_type=jnp.float32)
    o_ref[...] = d * hw


def _tc2(p, hs1, cnt, b1r, W2):
    return pl.pallas_call(
        _tc2_body,
        grid=(NBLK,),
        in_specs=[
            pl.BlockSpec((1, BLK, H), lambda k: (0, k, 0)),
            pl.BlockSpec((1, BLK, H), lambda k: (1, k, 0)),
            pl.BlockSpec((BLK, H), lambda k: (k, 0)),
            pl.BlockSpec((NW, BLK), lambda k: (0, k)),
            pl.BlockSpec((8, H), lambda k: (0, 0)),
            pl.BlockSpec((H, H), lambda k: (0, 0)),
        ],
        out_specs=pl.BlockSpec((BLK, H), lambda k: (k, 0)),
        out_shape=jax.ShapeDtypeStruct((NP, H), jnp.float32),
    )(p, p, hs1, cnt, b1r, W2)


def _tc3_body(p0_ref, p1_ref, hs_ref, c_ref, b_ref, bt_ref,
              wf1_ref, bf1_ref, wf2_ref, bf2_ref, o_ref, pool_ref):
    k = pl.program_id(0)

    @pl.when(k == 0)
    def _():
        pool_ref[...] = jnp.zeros_like(pool_ref)

    d = _d_block(c_ref[...])
    h2 = jax.nn.relu(d * (p0_ref[0] + p1_ref[0] + hs_ref[...])
                     + b_ref[0:1, :])
    bt = bt_ref[0]
    onehot = (lax.broadcasted_iota(jnp.int32, (G, BLK), 0)
              == jnp.broadcast_to(bt, (G, BLK))).astype(jnp.float32)
    pool_ref[...] += jnp.dot(onehot, h2, preferred_element_type=jnp.float32)

    @pl.when(k == NBLK - 1)
    def _():
        r = jax.nn.relu(
            jnp.dot(pool_ref[...], wf1_ref[...],
                    preferred_element_type=jnp.float32)
            + bf1_ref[0:1, :])
        o_ref[...] = (jnp.dot(r, wf2_ref[...],
                              preferred_element_type=jnp.float32)
                      + bf2_ref[0:1, :])


def _tc3(p, hs2, cnt, b2r, batch3, Wfc1, bfc1r, Wfc2p, bfc2r):
    return pl.pallas_call(
        _tc3_body,
        grid=(NBLK,),
        in_specs=[
            pl.BlockSpec((1, BLK, H), lambda k: (0, k, 0)),
            pl.BlockSpec((1, BLK, H), lambda k: (1, k, 0)),
            pl.BlockSpec((BLK, H), lambda k: (k, 0)),
            pl.BlockSpec((NW, BLK), lambda k: (0, k)),
            pl.BlockSpec((8, H), lambda k: (0, 0)),
            pl.BlockSpec((1, 1, BLK), lambda k: (k, 0, 0)),
            pl.BlockSpec((H, H), lambda k: (0, 0)),
            pl.BlockSpec((8, H), lambda k: (0, 0)),
            pl.BlockSpec((H, H), lambda k: (0, 0)),
            pl.BlockSpec((8, H), lambda k: (0, 0)),
        ],
        out_specs=pl.BlockSpec((G, H), lambda k: (0, 0)),
        out_shape=jax.ShapeDtypeStruct((G, H), jnp.float32),
        scratch_shapes=[pltpu.VMEM((G, H), jnp.float32)],
    )(p, p, hs2, cnt, b2r, batch3, Wfc1, bfc1r, Wfc2p, bfc2r)



@jax.jit
def kernel(x, edge_index, batch, W1, b1, W2, b2, Wfc1, bfc1, Wfc2, bfc2):
    src = edge_index[0]
    dst = edge_index[1]
    pad_e = jnp.full((EP - E,), N, jnp.int32)
    src_f = jnp.concatenate([src, pad_e])
    dst_f = jnp.concatenate([dst, pad_e])
    src_p = src_f.reshape(NW, CH, CHUNK)
    dst_p = dst_f.reshape(NW, CH, CHUNK)

    x_p = jnp.pad(x, ((0, NP - N), (0, 0)))
    batch3 = jnp.concatenate(
        [batch, jnp.full((NP - N,), G, jnp.int32)]).reshape(NBLK, 1, BLK)

    b1r = jnp.broadcast_to(b1[None, :], (8, H))
    b2r = jnp.broadcast_to(b2[None, :], (8, H))
    bfc1r = jnp.broadcast_to(bfc1[None, :], (8, H))
    bfc2r = jnp.broadcast_to(bfc2.reshape(1, 1), (8, H))
    Wfc2p = jnp.pad(Wfc2, ((0, 0), (0, H - 1)))

    cnt = _sc_degree(dst_f.reshape(NW, EP // NW))

    hs1 = _tc1(x_p, W1, cnt)
    p1 = _sc_scatter(hs1, src_p, dst_p)
    hs2 = _tc2(p1, hs1, cnt, b1r, W2)
    p2 = _sc_scatter(hs2, src_p, dst_p)
    outG = _tc3(p2, hs2, cnt, b2r, batch3,
                Wfc1, bfc1r, Wfc2p, bfc2r)
    return outG[:, :1]

# --- scband reference (transcript-rebuilt; emitter-appended) ---
"""Pipeline reference for scband-net-66829691126193 (READ-ONLY COPY).

The authoritative reference and input builder live on the scoring server;
editing this copy changes nothing except your own understanding.
"""

import jax, jax.numpy as jnp
import numpy as np

N = 10000
E = 320000
F_IN = 128
H = 128
G = 64


def setup_inputs(seed: int = 0) -> dict:
    key = jax.random.key(seed)
    ks = jax.random.split(key, 12)
    x = jax.random.normal(ks[0], (N, F_IN), dtype=jnp.float32)
    edge_index = jax.random.randint(ks[1], (2, E), 0, N, dtype=jnp.int32)
    # sorted segment ids assigning nodes to G graphs
    batch = jnp.sort(jax.random.randint(ks[2], (N,), 0, G, dtype=jnp.int32))
    # GCNConv1: in=F_IN, out=H
    W1 = jax.random.normal(ks[3], (F_IN, H), dtype=jnp.float32) / np.sqrt(F_IN)
    b1 = jnp.zeros((H,), dtype=jnp.float32)
    # GCNConv2: in=H, out=H
    W2 = jax.random.normal(ks[4], (H, H), dtype=jnp.float32) / np.sqrt(H)
    b2 = jnp.zeros((H,), dtype=jnp.float32)
    # fc1: H -> H
    Wfc1 = jax.random.normal(ks[5], (H, H), dtype=jnp.float32) / np.sqrt(H)
    bfc1 = jnp.zeros((H,), dtype=jnp.float32)
    # fc2: H -> 1
    Wfc2 = jax.random.normal(ks[6], (H, 1), dtype=jnp.float32) / np.sqrt(H)
    bfc2 = jnp.zeros((1,), dtype=jnp.float32)
    return {"x": x, "edge_index": edge_index, "batch": batch,
            "W1": W1, "b1": b1, "W2": W2, "b2": b2,
            "Wfc1": Wfc1, "bfc1": bfc1, "Wfc2": Wfc2, "bfc2": bfc2}


def _gcn_norm(edge_index):
    # add self-loops, compute symmetric normalization coefficients (PyG GCNConv)
    loops = jnp.arange(N, dtype=edge_index.dtype)
    ei = jnp.concatenate([edge_index, jnp.stack([loops, loops], axis=0)], axis=1)
    src, dst = ei[0], ei[1]
    deg = jax.ops.segment_sum(jnp.ones((ei.shape[1],), dtype=jnp.float32), dst, num_segments=N)
    deg_inv_sqrt = jax.lax.rsqrt(jnp.maximum(deg, 1.0))
    norm = deg_inv_sqrt[src] * deg_inv_sqrt[dst]
    return src, dst, norm


def _gcn_conv(x, src, dst, norm, W, b):
    h = x @ W
    msg = jnp.take(h, src, axis=0) * norm[:, None]
    out = jnp.zeros((N, h.shape[1]), dtype=h.dtype).at[dst].add(msg)
    return out + b


def reference(x, edge_index, batch, W1, b1, W2, b2, Wfc1, bfc1, Wfc2, bfc2):
    src, dst, norm = _gcn_norm(edge_index)
    h = jax.nn.relu(_gcn_conv(x, src, dst, norm, W1, b1))
    h = jax.nn.relu(_gcn_conv(h, src, dst, norm, W2, b2))
    # global_add_pool
    pooled = jax.ops.segment_sum(h, batch, num_segments=G)
    h = jax.nn.relu(pooled @ Wfc1 + bfc1)
    out = h @ Wfc2 + bfc2
    return out

if __name__ == "__main__":
    import jax
    _d = setup_inputs()
    print(jax.jit(kernel)(*tuple(_d.values())))

</pallas_src>

<mosaic_0001>
#map = affine_map<(d0, d1) -> (0, 0)>
module attributes {stable_mosaic.version = 14 : i64} {
  func.func @body(%arg0: i32, %arg1: i32, %arg2: memref<32x10112xi32, #tpu.memory_space<hbm>>, %arg3: memref<32x10240xf32, #tpu.memory_space<hbm>>, %arg4: memref<10112xi32, #tpu.memory_space<vmem>>, %arg5: memref<10240xf32, #tpu.memory_space<vmem>>, %arg6: memref<!tpu.dma_semaphore, #tpu.memory_space<semaphore_mem>>) attributes {dimension_semantics = [#tpu.dimension_semantics<core_parallel>, #tpu.dimension_semantics<subcore_parallel>], iteration_bounds = array<i64: 2, 16>, scalar_prefetch = 0 : i64, scratch_operands = 3 : i64, tpu.core_type = #tpu.core_type<sc_vector_subcore>, window_params = [{transform_indices = #map}, {transform_indices = #map}]} {
    %mul3A = arith.constant 2 : i32
    %mul3A_0 = arith.muli %arg1, %mul3A : i32
    %add3A = arith.addi %mul3A_0, %arg0 : i32
    "tpu.region"() ({
      %run_scoped3A = tpu.sem_alloc : memref<!tpu.dma_semaphore, #tpu.memory_space<semaphore_mem>>
      %dma_start3A = arith.constant 0 : i32
      %dma_start3A_13 = tpu.memref_slice %arg2[%add3A, %dma_start3A] : memref<32x10112xi32, #tpu.memory_space<hbm>> -> memref<1x10112xi32, #tpu.memory_space<hbm>>
      %dma_start3A_14 = tpu.memref_squeeze %dma_start3A_13 : memref<1x10112xi32, #tpu.memory_space<hbm>> -> memref<10112xi32, #tpu.memory_space<hbm>>
      %dma_start3A_15 = arith.constant 0 : i32
      %dma_start3A_16 = tpu.memref_slice %arg2[%add3A, %dma_start3A_15] : memref<32x10112xi32, #tpu.memory_space<hbm>> -> memref<1x10112xi32, #tpu.memory_space<hbm>>
      %dma_start3A_17 = tpu.memref_squeeze %dma_start3A_16 : memref<1x10112xi32, #tpu.memory_space<hbm>> -> memref<10112xi32, #tpu.memory_space<hbm>>
      tpu.enqueue_dma source(%dma_start3A_17 : memref<10112xi32, #tpu.memory_space<hbm>>) target(%arg4 : memref<10112xi32, #tpu.memory_space<vmem>>) target_semaphore(%run_scoped3A : memref<!tpu.dma_semaphore, #tpu.memory_space<semaphore_mem>>)
      %dma_wait3A = arith.constant 0 : i32
      %dma_wait3A_18 = tpu.memref_slice %arg2[%add3A, %dma_wait3A] : memref<32x10112xi32, #tpu.memory_space<hbm>> -> memref<1x10112xi32, #tpu.memory_space<hbm>>
      %dma_wait3A_19 = tpu.memref_squeeze %dma_wait3A_18 : memref<1x10112xi32, #tpu.memory_space<hbm>> -> memref<10112xi32, #tpu.memory_space<hbm>>
      %dma_wait3A_20 = arith.constant 0 : i32
      %dma_wait3A_21 = tpu.memref_slice %arg2[%add3A, %dma_wait3A_20] : memref<32x10112xi32, #tpu.memory_space<hbm>> -> memref<1x10112xi32, #tpu.memory_space<hbm>>
      %dma_wait3A_22 = tpu.memref_squeeze %dma_wait3A_21 : memref<1x10112xi32, #tpu.memory_space<hbm>> -> memref<10112xi32, #tpu.memory_space<hbm>>
      tpu.wait_dma2 semaphore(%run_scoped3A : memref<!tpu.dma_semaphore, #tpu.memory_space<semaphore_mem>>) src(%dma_wait3A_22 : memref<10112xi32, #tpu.memory_space<hbm>>) dst(%arg4 : memref<10112xi32, #tpu.memory_space<vmem>>)
      tpu.yield
    }) : () -> ()
    %broadcast_in_dim3A = arith.constant 0.000000e+00 : f32
    %broadcast_in_dim3A_1 = vector.broadcast %broadcast_in_dim3A : f32 to vector<16xf32>
    %scan3A = arith.constant 0 : i32
    %scan3A_2 = arith.constant 640 : i32
    %scan3A_3 = arith.addi %scan3A, %scan3A_2 : i32
    %scan3A_4 = arith.constant 1 : i32
    scf.for %scan3A_13 = %scan3A to %scan3A_3 step %scan3A_4  : i32 {
      %mul3A_14 = arith.constant 1 : i32
      %mul3A_15 = arith.muli %scan3A_13, %mul3A_14 : i32
      %add3A_16 = arith.constant 0 : i32
      %add3A_17 = arith.addi %add3A_16, %mul3A_15 : i32
      %mul3A_18 = arith.constant 16 : i32
      %mul3A_19 = arith.muli %add3A_17, %mul3A_18 : i32
      %swap3A = arith.index_cast %mul3A_19 : i32 to index
      %swap3A_20 = tpu.vector_load %arg5[%swap3A] {strides = array<i32>} : memref<10240xf32, #tpu.memory_space<vmem>>, vector<16xf32>,
      tpu.vector_store %arg5[%swap3A], %broadcast_in_dim3A_1 {strides = array<i32>} : memref<10240xf32, #tpu.memory_space<vmem>>, vector<16xf32>,
    }
    %scan3A_5 = arith.constant 640 : i32
    %broadcast_in_dim3A_6 = arith.constant 1.000000e+00 : f32
    %broadcast_in_dim3A_7 = vector.broadcast %broadcast_in_dim3A_6 : f32 to vector<16xf32>
    %scan3A_8 = arith.constant 0 : i32
    %scan3A_9 = arith.constant 632 : i32
    %scan3A_10 = arith.addi %scan3A_8, %scan3A_9 : i32
    %scan3A_11 = arith.constant 1 : i32
    scf.for %scan3A_13 = %scan3A_8 to %scan3A_10 step %scan3A_11  : i32 {
      %mul3A_14 = arith.constant 1 : i32
      %mul3A_15 = arith.muli %scan3A_13, %mul3A_14 : i32
      %add3A_16 = arith.constant 0 : i32
      %add3A_17 = arith.addi %add3A_16, %mul3A_15 : i32
      %mul3A_18 = arith.constant 16 : i32
      %mul3A_19 = arith.muli %add3A_17, %mul3A_18 : i32
      %get3A = arith.index_cast %mul3A_19 : i32 to index
      %get3A_20 = tpu.vector_load %arg4[%get3A] {strides = array<i32>} : memref<10112xi32, #tpu.memory_space<vmem>>, vector<16xi32>,
      tpu.vector_store_idx %arg5[%get3A_20], %broadcast_in_dim3A_7 {add = true} : memref<10240xf32, #tpu.memory_space<vmem>>[vector<16xi32>], vector<16xf32>,
    }
    %scan3A_12 = arith.constant 632 : i32
    "tpu.region"() ({
      %run_scoped3A = tpu.sem_alloc : memref<!tpu.dma_semaphore, #tpu.memory_space<semaphore_mem>>
      %dma_start3A = arith.constant 0 : i32
      %dma_start3A_13 = tpu.memref_slice %arg3[%add3A, %dma_start3A] : memref<32x10240xf32, #tpu.memory_space<hbm>> -> memref<1x10240xf32, #tpu.memory_space<hbm>>
      %dma_start3A_14 = tpu.memref_squeeze %dma_start3A_13 : memref<1x10240xf32, #tpu.memory_space<hbm>> -> memref<10240xf32, #tpu.memory_space<hbm>>
      %dma_start3A_15 = arith.constant 0 : i32
      %dma_start3A_16 = tpu.memref_slice %arg3[%add3A, %dma_start3A_15] : memref<32x10240xf32, #tpu.memory_space<hbm>> -> memref<1x10240xf32, #tpu.memory_space<hbm>>
      %dma_start3A_17 = tpu.memref_squeeze %dma_start3A_16 : memref<1x10240xf32, #tpu.memory_space<hbm>> -> memref<10240xf32, #tpu.memory_space<hbm>>
      tpu.enqueue_dma source(%arg5 : memref<10240xf32, #tpu.memory_space<vmem>>) target(%dma_start3A_17 : memref<10240xf32, #tpu.memory_space<hbm>>) target_semaphore(%run_scoped3A : memref<!tpu.dma_semaphore, #tpu.memory_space<semaphore_mem>>)
      %dma_wait3A = arith.constant 0 : i32
      %dma_wait3A_18 = tpu.memref_slice %arg3[%add3A, %dma_wait3A] : memref<32x10240xf32, #tpu.memory_space<hbm>> -> memref<1x10240xf32, #tpu.memory_space<hbm>>
      %dma_wait3A_19 = tpu.memref_squeeze %dma_wait3A_18 : memref<1x10240xf32, #tpu.memory_space<hbm>> -> memref<10240xf32, #tpu.memory_space<hbm>>
      %dma_wait3A_20 = arith.constant 0 : i32
      %dma_wait3A_21 = tpu.memref_slice %arg3[%add3A, %dma_wait3A_20] : memref<32x10240xf32, #tpu.memory_space<hbm>> -> memref<1x10240xf32, #tpu.memory_space<hbm>>
      %dma_wait3A_22 = tpu.memref_squeeze %dma_wait3A_21 : memref<1x10240xf32, #tpu.memory_space<hbm>> -> memref<10240xf32, #tpu.memory_space<hbm>>
      tpu.wait_dma2 semaphore(%run_scoped3A : memref<!tpu.dma_semaphore, #tpu.memory_space<semaphore_mem>>) src(%arg5 : memref<10240xf32, #tpu.memory_space<vmem>>) dst(%dma_wait3A_22 : memref<10240xf32, #tpu.memory_space<hbm>>)
      tpu.yield
    }) : () -> ()
    return
  }
}

#map = affine_map<(d0, d1) -> (0, 0)>
#map1 = affine_map<(d0, d1) -> (0, 0, 0)>
module attributes {stable_mosaic.version = 14 : i64} {
  func.func @body(%arg0: i32, %arg1: i32, %arg2: memref<10240x128xf32, #tpu.memory_space<hbm>>, %arg3: memref<32x79x128xi32, #tpu.memory_space<hbm>>, %arg4: memref<32x79x128xi32, #tpu.memory_space<hbm>>, %arg5: memref<2x10240x128xf32, #tpu.memory_space<hbm>>, %arg6: memref<79x128xi32, #tpu.memory_space<vmem>>, %arg7: memref<79x128xi32, #tpu.memory_space<vmem>>, %arg8: memref<128x128xf32, #tpu.memory_space<vmem>>, %arg9: memref<10240x128xf32, #tpu.memory_space<vmem_shared>>, %arg10: memref<!tpu.dma_semaphore, #tpu.memory_space<semaphore_mem>>) attributes {dimension_semantics = [#tpu.dimension_semantics<core_parallel>, #tpu.dimension_semantics<subcore_parallel>], iteration_bounds = array<i64: 2, 16>, scalar_prefetch = 0 : i64, scratch_operands = 5 : i64, tpu.core_type = #tpu.core_type<sc_vector_subcore>, window_params = [{transform_indices = #map}, {transform_indices = #map1}, {transform_indices = #map1}, {transform_indices = #map1}]} {
    %mul3A = arith.constant 2 : i32
    %mul3A_0 = arith.muli %arg1, %mul3A : i32
    %add3A = arith.addi %mul3A_0, %arg0 : i32
    "tpu.region"() ({
      %run_scoped3A = tpu.sem_alloc : memref<!tpu.dma_semaphore, #tpu.memory_space<semaphore_mem>>
      %dma_start3A = arith.constant 0 : i32
      %dma_start3A_21 = arith.constant 0 : i32
      %dma_start3A_22 = tpu.memref_slice %arg3[%add3A, %dma_start3A, %dma_start3A_21] : memref<32x79x128xi32, #tpu.memory_space<hbm>> -> memref<1x79x128xi32, #tpu.memory_space<hbm>>
      %dma_start3A_23 = tpu.memref_squeeze %dma_start3A_22 : memref<1x79x128xi32, #tpu.memory_space<hbm>> -> memref<79x128xi32, #tpu.memory_space<hbm>>
      %dma_start3A_24 = arith.constant 0 : i32
      %dma_start3A_25 = arith.constant 0 : i32
      %dma_start3A_26 = tpu.memref_slice %arg3[%add3A, %dma_start3A_24, %dma_start3A_25] : memref<32x79x128xi32, #tpu.memory_space<hbm>> -> memref<1x79x128xi32, #tpu.memory_space<hbm>>
      %dma_start3A_27 = tpu.memref_squeeze %dma_start3A_26 : memref<1x79x128xi32, #tpu.memory_space<hbm>> -> memref<79x128xi32, #tpu.memory_space<hbm>>
      tpu.enqueue_dma source(%dma_start3A_27 : memref<79x128xi32, #tpu.memory_space<hbm>>) target(%arg6 : memref<79x128xi32, #tpu.memory_space<vmem>>) target_semaphore(%run_scoped3A : memref<!tpu.dma_semaphore, #tpu.memory_space<semaphore_mem>>)
      %dma_wait3A = arith.constant 0 : i32
      %dma_wait3A_28 = arith.constant 0 : i32
      %dma_wait3A_29 = tpu.memref_slice %arg3[%add3A, %dma_wait3A, %dma_wait3A_28] : memref<32x79x128xi32, #tpu.memory_space<hbm>> -> memref<1x79x128xi32, #tpu.memory_space<hbm>>
      %dma_wait3A_30 = tpu.memref_squeeze %dma_wait3A_29 : memref<1x79x128xi32, #tpu.memory_space<hbm>> -> memref<79x128xi32, #tpu.memory_space<hbm>>
      %dma_wait3A_31 = arith.constant 0 : i32
      %dma_wait3A_32 = arith.constant 0 : i32
      %dma_wait3A_33 = tpu.memref_slice %arg3[%add3A, %dma_wait3A_31, %dma_wait3A_32] : memref<32x79x128xi32, #tpu.memory_space<hbm>> -> memref<1x79x128xi32, #tpu.memory_space<hbm>>
      %dma_wait3A_34 = tpu.memref_squeeze %dma_wait3A_33 : memref<1x79x128xi32, #tpu.memory_space<hbm>> -> memref<79x128xi32, #tpu.memory_space<hbm>>
      tpu.wait_dma2 semaphore(%run_scoped3A : memref<!tpu.dma_semaphore, #tpu.memory_space<semaphore_mem>>) src(%dma_wait3A_34 : memref<79x128xi32, #tpu.memory_space<hbm>>) dst(%arg6 : memref<79x128xi32, #tpu.memory_space<vmem>>)
      tpu.yield
    }) : () -> ()
    "tpu.region"() ({
      %run_scoped3A = tpu.sem_alloc : memref<!tpu.dma_semaphore, #tpu.memory_space<semaphore_mem>>
      %dma_start3A = arith.constant 0 : i32
      %dma_start3A_21 = arith.constant 0 : i32
      %dma_start3A_22 = tpu.memref_slice %arg4[%add3A, %dma_start3A, %dma_start3A_21] : memref<32x79x128xi32, #tpu.memory_space<hbm>> -> memref<1x79x128xi32, #tpu.memory_space<hbm>>
      %dma_start3A_23 = tpu.memref_squeeze %dma_start3A_22 : memref<1x79x128xi32, #tpu.memory_space<hbm>> -> memref<79x128xi32, #tpu.memory_space<hbm>>
      %dma_start3A_24 = arith.constant 0 : i32
      %dma_start3A_25 = arith.constant 0 : i32
      %dma_start3A_26 = tpu.memref_slice %arg4[%add3A, %dma_start3A_24, %dma_start3A_25] : memref<32x79x128xi32, #tpu.memory_space<hbm>> -> memref<1x79x128xi32, #tpu.memory_space<hbm>>
      %dma_start3A_27 = tpu.memref_squeeze %dma_start3A_26 : memref<1x79x128xi32, #tpu.memory_space<hbm>> -> memref<79x128xi32, #tpu.memory_space<hbm>>
      tpu.enqueue_dma source(%dma_start3A_27 : memref<79x128xi32, #tpu.memory_space<hbm>>) target(%arg7 : memref<79x128xi32, #tpu.memory_space<vmem>>) target_semaphore(%run_scoped3A : memref<!tpu.dma_semaphore, #tpu.memory_space<semaphore_mem>>)
      %dma_wait3A = arith.constant 0 : i32
      %dma_wait3A_28 = arith.constant 0 : i32
      %dma_wait3A_29 = tpu.memref_slice %arg4[%add3A, %dma_wait3A, %dma_wait3A_28] : memref<32x79x128xi32, #tpu.memory_space<hbm>> -> memref<1x79x128xi32, #tpu.memory_space<hbm>>
      %dma_wait3A_30 = tpu.memref_squeeze %dma_wait3A_29 : memref<1x79x128xi32, #tpu.memory_space<hbm>> -> memref<79x128xi32, #tpu.memory_space<hbm>>
      %dma_wait3A_31 = arith.constant 0 : i32
      %dma_wait3A_32 = arith.constant 0 : i32
      %dma_wait3A_33 = tpu.memref_slice %arg4[%add3A, %dma_wait3A_31, %dma_wait3A_32] : memref<32x79x128xi32, #tpu.memory_space<hbm>> -> memref<1x79x128xi32, #tpu.memory_space<hbm>>
      %dma_wait3A_34 = tpu.memref_squeeze %dma_wait3A_33 : memref<1x79x128xi32, #tpu.memory_space<hbm>> -> memref<79x128xi32, #tpu.memory_space<hbm>>
      tpu.wait_dma2 semaphore(%run_scoped3A : memref<!tpu.dma_semaphore, #tpu.memory_space<semaphore_mem>>) src(%dma_wait3A_34 : memref<79x128xi32, #tpu.memory_space<hbm>>) dst(%arg7 : memref<79x128xi32, #tpu.memory_space<vmem>>)
      tpu.yield
    }) : () -> ()
    %broadcast_in_dim3A = arith.constant 0.000000e+00 : f32
    %broadcast_in_dim3A_1 = vector.broadcast %broadcast_in_dim3A : f32 to vector<16xf32>
    %scan3A = arith.constant 0 : i32
    %scan3A_2 = arith.constant 128 : i32
    %scan3A_3 = arith.addi %scan3A, %scan3A_2 : i32
    %scan3A_4 = arith.constant 1 : i32
    scf.for %scan3A_21 = %scan3A to %scan3A_3 step %scan3A_4  : i32 {
      %mul3A_22 = arith.constant 1 : i32
      %mul3A_23 = arith.muli %scan3A_21, %mul3A_22 : i32
      %add3A_24 = arith.constant 0 : i32
      %add3A_25 = arith.addi %add3A_24, %mul3A_23 : i32
      %scan3A_26 = arith.constant 0 : i32
      %scan3A_27 = arith.constant 8 : i32
      %scan3A_28 = arith.addi %scan3A_26, %scan3A_27 : i32
      %scan3A_29 = arith.constant 1 : i32
      scf.for %scan3A_31 = %scan3A_26 to %scan3A_28 step %scan3A_29  : i32 {
        %mul3A_32 = arith.constant 1 : i32
        %mul3A_33 = arith.muli %scan3A_31, %mul3A_32 : i32
        %add3A_34 = arith.constant 0 : i32
        %add3A_35 = arith.addi %add3A_34, %mul3A_33 : i32
        %mul3A_36 = arith.constant 16 : i32
        %mul3A_37 = arith.muli %add3A_35, %mul3A_36 : i32
        %swap3A = arith.index_cast %add3A_25 : i32 to index
        %swap3A_38 = arith.index_cast %mul3A_37 : i32 to index
        %swap3A_39 = tpu.vector_load %arg8[%swap3A, %swap3A_38] {strides = array<i32>} : memref<128x128xf32, #tpu.memory_space<vmem>>, vector<1x16xf32>,
        %swap3A_40 = vector.shape_cast %swap3A_39 : vector<1x16xf32> to vector<16xf32>
        %swap3A_41 = vector.shape_cast %broadcast_in_dim3A_1 : vector<16xf32> to vector<1x16xf32>
        tpu.vector_store %arg8[%swap3A, %swap3A_38], %swap3A_41 {strides = array<i32>} : memref<128x128xf32, #tpu.memory_space<vmem>>, vector<1x16xf32>,
      }
      %scan3A_30 = arith.constant 8 : i32
    }
    %scan3A_5 = arith.constant 128 : i32
    %scan3A_6 = arith.constant 0 : i32
    %scan3A_7 = arith.constant 5 : i32
    %scan3A_8 = arith.addi %scan3A_6, %scan3A_7 : i32
    %scan3A_9 = arith.constant 1 : i32
    scf.for %scan3A_21 = %scan3A_6 to %scan3A_8 step %scan3A_9  : i32 {
      %mul3A_22 = arith.constant 1 : i32
      %mul3A_23 = arith.muli %scan3A_21, %mul3A_22 : i32
      %add3A_24 = arith.constant 0 : i32
      %add3A_25 = arith.addi %add3A_24, %mul3A_23 : i32
      %mul3A_26 = arith.constant 640 : i32
      %mul3A_27 = arith.muli %arg1, %mul3A_26 : i32
      %mul3A_28 = arith.constant 128 : i32
      %mul3A_29 = arith.muli %add3A_25, %mul3A_28 : i32
      %add3A_30 = arith.addi %mul3A_27, %mul3A_29 : i32
      "tpu.region"() ({
        %run_scoped3A = tpu.sem_alloc : memref<!tpu.dma_semaphore, #tpu.memory_space<semaphore_mem>>
        %dma_start3A = arith.constant 0 : i32
        %dma_start3A_31 = tpu.memref_slice %arg9[%add3A_30, %dma_start3A] : memref<10240x128xf32, #tpu.memory_space<vmem_shared>> -> memref<128x128xf32, #tpu.memory_space<vmem_shared>>
        %dma_start3A_32 = arith.constant 0 : i32
        %dma_start3A_33 = tpu.memref_slice %arg9[%add3A_30, %dma_start3A_32] : memref<10240x128xf32, #tpu.memory_space<vmem_shared>> -> memref<128x128xf32, #tpu.memory_space<vmem_shared>>
        tpu.enqueue_dma source(%arg8 : memref<128x128xf32, #tpu.memory_space<vmem>>) target(%dma_start3A_33 : memref<128x128xf32, #tpu.memory_space<vmem_shared>>) target_semaphore(%run_scoped3A : memref<!tpu.dma_semaphore, #tpu.memory_space<semaphore_mem>>)
        %dma_wait3A = arith.constant 0 : i32
        %dma_wait3A_34 = tpu.memref_slice %arg9[%add3A_30, %dma_wait3A] : memref<10240x128xf32, #tpu.memory_space<vmem_shared>> -> memref<128x128xf32, #tpu.memory_space<vmem_shared>>
        %dma_wait3A_35 = arith.constant 0 : i32
        %dma_wait3A_36 = tpu.memref_slice %arg9[%add3A_30, %dma_wait3A_35] : memref<10240x128xf32, #tpu.memory_space<vmem_shared>> -> memref<128x128xf32, #tpu.memory_space<vmem_shared>>
        tpu.wait_dma2 semaphore(%run_scoped3A : memref<!tpu.dma_semaphore, #tpu.memory_space<semaphore_mem>>) src(%arg8 : memref<128x128xf32, #tpu.memory_space<vmem>>) dst(%dma_wait3A_36 : memref<128x128xf32, #tpu.memory_space<vmem_shared>>)
        tpu.yield
      }) : () -> ()
    }
    %scan3A_10 = arith.constant 5 : i32
    %barrier3A = arith.constant 0 : index
    tpu.barrier barrier_id(%barrier3A)
    %scan3A_11 = arith.constant 0 : i32
    %scan3A_12 = arith.constant 79 : i32
    %scan3A_13 = arith.addi %scan3A_11, %scan3A_12 : i32
    %scan3A_14 = arith.constant 1 : i32
    scf.for %scan3A_21 = %scan3A_11 to %scan3A_13 step %scan3A_14  : i32 {
      %mul3A_22 = arith.constant 1 : i32
      %mul3A_23 = arith.muli %scan3A_21, %mul3A_22 : i32
      %add3A_24 = arith.constant 0 : i32
      %add3A_25 = arith.addi %add3A_24, %mul3A_23 : i32
      %dma_start3A = arith.constant 0 : i32
      %dma_start3A_26 = tpu.memref_slice %arg6[%add3A_25, %dma_start3A] : memref<79x128xi32, #tpu.memory_space<vmem>> -> memref<1x128xi32, #tpu.memory_space<vmem>>
      %dma_start3A_27 = tpu.memref_squeeze %dma_start3A_26 : memref<1x128xi32, #tpu.memory_space<vmem>> -> memref<128xi32, #tpu.memory_space<vmem>>
      %dma_start3A_28 = arith.constant 0 : i32
      %dma_start3A_29 = arith.constant 0 : i32
      %dma_start3A_30 = tpu.memref_slice %arg2[%dma_start3A_28, %dma_start3A_29] : memref<10240x128xf32, #tpu.memory_space<hbm>> -> memref<10240x128xf32, #tpu.memory_space<hbm>>
      tpu.enqueue_indirect_dma source(%dma_start3A_30 : memref<10240x128xf32, #tpu.memory_space<hbm>>) target(%arg8 : memref<128x128xf32, #tpu.memory_space<vmem>>) offsets(%dma_start3A_27 : memref<128xi32, #tpu.memory_space<vmem>>) semaphore(%arg10 : memref<!tpu.dma_semaphore, #tpu.memory_space<semaphore_mem>>)
      %dma_wait3A = arith.constant 0 : i32
      %dma_wait3A_31 = tpu.memref_slice %arg6[%add3A_25, %dma_wait3A] : memref<79x128xi32, #tpu.memory_space<vmem>> -> memref<1x128xi32, #tpu.memory_space<vmem>>
      %dma_wait3A_32 = tpu.memref_squeeze %dma_wait3A_31 : memref<1x128xi32, #tpu.memory_space<vmem>> -> memref<128xi32, #tpu.memory_space<vmem>>
      %dma_wait3A_33 = arith.constant 0 : i32
      %dma_wait3A_34 = arith.constant 0 : i32
      %dma_wait3A_35 = tpu.memref_slice %arg2[%dma_wait3A_33, %dma_wait3A_34] : memref<10240x128xf32, #tpu.memory_space<hbm>> -> memref<10240x128xf32, #tpu.memory_space<hbm>>
      tpu.wait_indirect_dma semaphore(%arg10 : memref<!tpu.dma_semaphore, #tpu.memory_space<semaphore_mem>>) src(%dma_wait3A_35 : memref<10240x128xf32, #tpu.memory_space<hbm>>) dst(%arg8 : memref<128x128xf32, #tpu.memory_space<vmem>>)
      "tpu.region"() ({
        %run_scoped3A = tpu.sem_alloc : memref<!tpu.dma_semaphore, #tpu.memory_space<semaphore_mem>>
        %dma_start3A_36 = arith.constant 0 : i32
        %dma_start3A_37 = tpu.memref_slice %arg7[%add3A_25, %dma_start3A_36] : memref<79x128xi32, #tpu.memory_space<vmem>> -> memref<1x128xi32, #tpu.memory_space<vmem>>
        %dma_start3A_38 = tpu.memref_squeeze %dma_start3A_37 : memref<1x128xi32, #tpu.memory_space<vmem>> -> memref<128xi32, #tpu.memory_space<vmem>>
        %dma_start3A_39 = arith.constant 0 : i32
        %dma_start3A_40 = arith.constant 0 : i32
        %dma_start3A_41 = tpu.memref_slice %arg9[%dma_start3A_39, %dma_start3A_40] : memref<10240x128xf32, #tpu.memory_space<vmem_shared>> -> memref<10240x128xf32, #tpu.memory_space<vmem_shared>>
        tpu.enqueue_indirect_dma source(%arg8 : memref<128x128xf32, #tpu.memory_space<vmem>>) target(%dma_start3A_41 : memref<10240x128xf32, #tpu.memory_space<vmem_shared>>) offsets(%dma_start3A_38 : memref<128xi32, #tpu.memory_space<vmem>>) semaphore(%run_scoped3A : memref<!tpu.dma_semaphore, #tpu.memory_space<semaphore_mem>>) {add = true}
        %dma_wait3A_42 = arith.constant 0 : i32
        %dma_wait3A_43 = tpu.memref_slice %arg7[%add3A_25, %dma_wait3A_42] : memref<79x128xi32, #tpu.memory_space<vmem>> -> memref<1x128xi32, #tpu.memory_space<vmem>>
        %dma_wait3A_44 = tpu.memref_squeeze %dma_wait3A_43 : memref<1x128xi32, #tpu.memory_space<vmem>> -> memref<128xi32, #tpu.memory_space<vmem>>
        %dma_wait3A_45 = arith.constant 0 : i32
        %dma_wait3A_46 = arith.constant 0 : i32
        %dma_wait3A_47 = tpu.memref_slice %arg9[%dma_wait3A_45, %dma_wait3A_46] : memref<10240x128xf32, #tpu.memory_space<vmem_shared>> -> memref<10240x128xf32, #tpu.memory_space<vmem_shared>>
        tpu.wait_indirect_dma semaphore(%run_scoped3A : memref<!tpu.dma_semaphore, #tpu.memory_space<semaphore_mem>>) src(%arg8 : memref<128x128xf32, #tpu.memory_space<vmem>>) dst(%dma_wait3A_47 : memref<10240x128xf32, #tpu.memory_space<vmem_shared>>)
        tpu.yield
      }) : () -> ()
    }
    %scan3A_15 = arith.constant 79 : i32
    %barrier3A_16 = arith.constant 0 : index
    tpu.barrier barrier_id(%barrier3A_16)
    %mul3A_17 = arith.constant 640 : i32
    %mul3A_18 = arith.muli %arg1, %mul3A_17 : i32
    %mul3A_19 = arith.constant 640 : i32
    %mul3A_20 = arith.muli %arg1, %mul3A_19 : i32
    "tpu.region"() ({
      %run_scoped3A = tpu.sem_alloc : memref<!tpu.dma_semaphore, #tpu.memory_space<semaphore_mem>>
      %dma_start3A = arith.constant 0 : i32
      %dma_start3A_21 = arith.constant 0 : i32
      %dma_start3A_22 = tpu.memref_slice %arg5[%arg0, %dma_start3A, %dma_start3A_21] : memref<2x10240x128xf32, #tpu.memory_space<hbm>> -> memref<1x10240x128xf32, #tpu.memory_space<hbm>>
      %dma_start3A_23 = tpu.memref_squeeze %dma_start3A_22 : memref<1x10240x128xf32, #tpu.memory_space<hbm>> -> memref<10240x128xf32, #tpu.memory_space<hbm>>
      %dma_start3A_24 = arith.constant 0 : i32
      %dma_start3A_25 = tpu.memref_slice %dma_start3A_23[%mul3A_20, %dma_start3A_24] : memref<10240x128xf32, #tpu.memory_space<hbm>> -> memref<640x128xf32, #tpu.memory_space<hbm>>
      %dma_start3A_26 = arith.constant 0 : i32
      %dma_start3A_27 = tpu.memref_slice %arg9[%mul3A_18, %dma_start3A_26] : memref<10240x128xf32, #tpu.memory_space<vmem_shared>> -> memref<640x128xf32, #tpu.memory_space<vmem_shared>>
      tpu.enqueue_dma source(%dma_start3A_27 : memref<640x128xf32, #tpu.memory_space<vmem_shared>>) target(%dma_start3A_25 : memref<640x128xf32, #tpu.memory_space<hbm>>) target_semaphore(%run_scoped3A : memref<!tpu.dma_semaphore, #tpu.memory_space<semaphore_mem>>)
      %dma_wait3A = arith.constant 0 : i32
      %dma_wait3A_28 = arith.constant 0 : i32
      %dma_wait3A_29 = tpu.memref_slice %arg5[%arg0, %dma_wait3A, %dma_wait3A_28] : memref<2x10240x128xf32, #tpu.memory_space<hbm>> -> memref<1x10240x128xf32, #tpu.memory_space<hbm>>
      %dma_wait3A_30 = tpu.memref_squeeze %dma_wait3A_29 : memref<1x10240x128xf32, #tpu.memory_space<hbm>> -> memref<10240x128xf32, #tpu.memory_space<hbm>>
      %dma_wait3A_31 = arith.constant 0 : i32
      %dma_wait3A_32 = tpu.memref_slice %dma_wait3A_30[%mul3A_20, %dma_wait3A_31] : memref<10240x128xf32, #tpu.memory_space<hbm>> -> memref<640x128xf32, #tpu.memory_space<hbm>>
      %dma_wait3A_33 = arith.constant 0 : i32
      %dma_wait3A_34 = tpu.memref_slice %arg9[%mul3A_18, %dma_wait3A_33] : memref<10240x128xf32, #tpu.memory_space<vmem_shared>> -> memref<640x128xf32, #tpu.memory_space<vmem_shared>>
      tpu.wait_dma2 semaphore(%run_scoped3A : memref<!tpu.dma_semaphore, #tpu.memory_space<semaphore_mem>>) src(%dma_wait3A_34 : memref<640x128xf32, #tpu.memory_space<vmem_shared>>) dst(%dma_wait3A_32 : memref<640x128xf32, #tpu.memory_space<hbm>>)
      tpu.yield
    }) : () -> ()
    return
  }
}

#map = affine_map<(d0, d1) -> (0, 0)>
#map1 = affine_map<(d0, d1) -> (0, 0, 0)>
module attributes {stable_mosaic.version = 14 : i64} {
  func.func @body(%arg0: i32, %arg1: i32, %arg2: memref<10240x128xf32, #tpu.memory_space<hbm>>, %arg3: memref<32x79x128xi32, #tpu.memory_space<hbm>>, %arg4: memref<32x79x128xi32, #tpu.memory_space<hbm>>, %arg5: memref<2x10240x128xf32, #tpu.memory_space<hbm>>, %arg6: memref<79x128xi32, #tpu.memory_space<vmem>>, %arg7: memref<79x128xi32, #tpu.memory_space<vmem>>, %arg8: memref<128x128xf32, #tpu.memory_space<vmem>>, %arg9: memref<10240x128xf32, #tpu.memory_space<vmem_shared>>, %arg10: memref<!tpu.dma_semaphore, #tpu.memory_space<semaphore_mem>>) attributes {dimension_semantics = [#tpu.dimension_semantics<core_parallel>, #tpu.dimension_semantics<subcore_parallel>], iteration_bounds = array<i64: 2, 16>, scalar_prefetch = 0 : i64, scratch_operands = 5 : i64, tpu.core_type = #tpu.core_type<sc_vector_subcore>, window_params = [{transform_indices = #map}, {transform_indices = #map1}, {transform_indices = #map1}, {transform_indices = #map1}]} {
    %mul3A = arith.constant 2 : i32
    %mul3A_0 = arith.muli %arg1, %mul3A : i32
    %add3A = arith.addi %mul3A_0, %arg0 : i32
    "tpu.region"() ({
      %run_scoped3A = tpu.sem_alloc : memref<!tpu.dma_semaphore, #tpu.memory_space<semaphore_mem>>
      %dma_start3A = arith.constant 0 : i32
      %dma_start3A_21 = arith.constant 0 : i32
      %dma_start3A_22 = tpu.memref_slice %arg3[%add3A, %dma_start3A, %dma_start3A_21] : memref<32x79x128xi32, #tpu.memory_space<hbm>> -> memref<1x79x128xi32, #tpu.memory_space<hbm>>
      %dma_start3A_23 = tpu.memref_squeeze %dma_start3A_22 : memref<1x79x128xi32, #tpu.memory_space<hbm>> -> memref<79x128xi32, #tpu.memory_space<hbm>>
      %dma_start3A_24 = arith.constant 0 : i32
      %dma_start3A_25 = arith.constant 0 : i32
      %dma_start3A_26 = tpu.memref_slice %arg3[%add3A, %dma_start3A_24, %dma_start3A_25] : memref<32x79x128xi32, #tpu.memory_space<hbm>> -> memref<1x79x128xi32, #tpu.memory_space<hbm>>
      %dma_start3A_27 = tpu.memref_squeeze %dma_start3A_26 : memref<1x79x128xi32, #tpu.memory_space<hbm>> -> memref<79x128xi32, #tpu.memory_space<hbm>>
      tpu.enqueue_dma source(%dma_start3A_27 : memref<79x128xi32, #tpu.memory_space<hbm>>) target(%arg6 : memref<79x128xi32, #tpu.memory_space<vmem>>) target_semaphore(%run_scoped3A : memref<!tpu.dma_semaphore, #tpu.memory_space<semaphore_mem>>)
      %dma_wait3A = arith.constant 0 : i32
      %dma_wait3A_28 = arith.constant 0 : i32
      %dma_wait3A_29 = tpu.memref_slice %arg3[%add3A, %dma_wait3A, %dma_wait3A_28] : memref<32x79x128xi32, #tpu.memory_space<hbm>> -> memref<1x79x128xi32, #tpu.memory_space<hbm>>
      %dma_wait3A_30 = tpu.memref_squeeze %dma_wait3A_29 : memref<1x79x128xi32, #tpu.memory_space<hbm>> -> memref<79x128xi32, #tpu.memory_space<hbm>>
      %dma_wait3A_31 = arith.constant 0 : i32
      %dma_wait3A_32 = arith.constant 0 : i32
      %dma_wait3A_33 = tpu.memref_slice %arg3[%add3A, %dma_wait3A_31, %dma_wait3A_32] : memref<32x79x128xi32, #tpu.memory_space<hbm>> -> memref<1x79x128xi32, #tpu.memory_space<hbm>>
      %dma_wait3A_34 = tpu.memref_squeeze %dma_wait3A_33 : memref<1x79x128xi32, #tpu.memory_space<hbm>> -> memref<79x128xi32, #tpu.memory_space<hbm>>
      tpu.wait_dma2 semaphore(%run_scoped3A : memref<!tpu.dma_semaphore, #tpu.memory_space<semaphore_mem>>) src(%dma_wait3A_34 : memref<79x128xi32, #tpu.memory_space<hbm>>) dst(%arg6 : memref<79x128xi32, #tpu.memory_space<vmem>>)
      tpu.yield
    }) : () -> ()
    "tpu.region"() ({
      %run_scoped3A = tpu.sem_alloc : memref<!tpu.dma_semaphore, #tpu.memory_space<semaphore_mem>>
      %dma_start3A = arith.constant 0 : i32
      %dma_start3A_21 = arith.constant 0 : i32
      %dma_start3A_22 = tpu.memref_slice %arg4[%add3A, %dma_start3A, %dma_start3A_21] : memref<32x79x128xi32, #tpu.memory_space<hbm>> -> memref<1x79x128xi32, #tpu.memory_space<hbm>>
      %dma_start3A_23 = tpu.memref_squeeze %dma_start3A_22 : memref<1x79x128xi32, #tpu.memory_space<hbm>> -> memref<79x128xi32, #tpu.memory_space<hbm>>
      %dma_start3A_24 = arith.constant 0 : i32
      %dma_start3A_25 = arith.constant 0 : i32
      %dma_start3A_26 = tpu.memref_slice %arg4[%add3A, %dma_start3A_24, %dma_start3A_25] : memref<32x79x128xi32, #tpu.memory_space<hbm>> -> memref<1x79x128xi32, #tpu.memory_space<hbm>>
      %dma_start3A_27 = tpu.memref_squeeze %dma_start3A_26 : memref<1x79x128xi32, #tpu.memory_space<hbm>> -> memref<79x128xi32, #tpu.memory_space<hbm>>
      tpu.enqueue_dma source(%dma_start3A_27 : memref<79x128xi32, #tpu.memory_space<hbm>>) target(%arg7 : memref<79x128xi32, #tpu.memory_space<vmem>>) target_semaphore(%run_scoped3A : memref<!tpu.dma_semaphore, #tpu.memory_space<semaphore_mem>>)
      %dma_wait3A = arith.constant 0 : i32
      %dma_wait3A_28 = arith.constant 0 : i32
      %dma_wait3A_29 = tpu.memref_slice %arg4[%add3A, %dma_wait3A, %dma_wait3A_28] : memref<32x79x128xi32, #tpu.memory_space<hbm>> -> memref<1x79x128xi32, #tpu.memory_space<hbm>>
      %dma_wait3A_30 = tpu.memref_squeeze %dma_wait3A_29 : memref<1x79x128xi32, #tpu.memory_space<hbm>> -> memref<79x128xi32, #tpu.memory_space<hbm>>
      %dma_wait3A_31 = arith.constant 0 : i32
      %dma_wait3A_32 = arith.constant 0 : i32
      %dma_wait3A_33 = tpu.memref_slice %arg4[%add3A, %dma_wait3A_31, %dma_wait3A_32] : memref<32x79x128xi32, #tpu.memory_space<hbm>> -> memref<1x79x128xi32, #tpu.memory_space<hbm>>
      %dma_wait3A_34 = tpu.memref_squeeze %dma_wait3A_33 : memref<1x79x128xi32, #tpu.memory_space<hbm>> -> memref<79x128xi32, #tpu.memory_space<hbm>>
      tpu.wait_dma2 semaphore(%run_scoped3A : memref<!tpu.dma_semaphore, #tpu.memory_space<semaphore_mem>>) src(%dma_wait3A_34 : memref<79x128xi32, #tpu.memory_space<hbm>>) dst(%arg7 : memref<79x128xi32, #tpu.memory_space<vmem>>)
      tpu.yield
    }) : () -> ()
    %broadcast_in_dim3A = arith.constant 0.000000e+00 : f32
    %broadcast_in_dim3A_1 = vector.broadcast %broadcast_in_dim3A : f32 to vector<16xf32>
    %scan3A = arith.constant 0 : i32
    %scan3A_2 = arith.constant 128 : i32
    %scan3A_3 = arith.addi %scan3A, %scan3A_2 : i32
    %scan3A_4 = arith.constant 1 : i32
    scf.for %scan3A_21 = %scan3A to %scan3A_3 step %scan3A_4  : i32 {
      %mul3A_22 = arith.constant 1 : i32
      %mul3A_23 = arith.muli %scan3A_21, %mul3A_22 : i32
      %add3A_24 = arith.constant 0 : i32
      %add3A_25 = arith.addi %add3A_24, %mul3A_23 : i32
      %scan3A_26 = arith.constant 0 : i32
      %scan3A_27 = arith.constant 8 : i32
      %scan3A_28 = arith.addi %scan3A_26, %scan3A_27 : i32
      %scan3A_29 = arith.constant 1 : i32
      scf.for %scan3A_31 = %scan3A_26 to %scan3A_28 step %scan3A_29  : i32 {
        %mul3A_32 = arith.constant 1 : i32
        %mul3A_33 = arith.muli %scan3A_31, %mul3A_32 : i32
        %add3A_34 = arith.constant 0 : i32
        %add3A_35 = arith.addi %add3A_34, %mul3A_33 : i32
        %mul3A_36 = arith.constant 16 : i32
        %mul3A_37 = arith.muli %add3A_35, %mul3A_36 : i32
        %swap3A = arith.index_cast %add3A_25 : i32 to index
        %swap3A_38 = arith.index_cast %mul3A_37 : i32 to index
        %swap3A_39 = tpu.vector_load %arg8[%swap3A, %swap3A_38] {strides = array<i32>} : memref<128x128xf32, #tpu.memory_space<vmem>>, vector<1x16xf32>,
        %swap3A_40 = vector.shape_cast %swap3A_39 : vector<1x16xf32> to vector<16xf32>
        %swap3A_41 = vector.shape_cast %broadcast_in_dim3A_1 : vector<16xf32> to vector<1x16xf32>
        tpu.vector_store %arg8[%swap3A, %swap3A_38], %swap3A_41 {strides = array<i32>} : memref<128x128xf32, #tpu.memory_space<vmem>>, vector<1x16xf32>,
      }
      %scan3A_30 = arith.constant 8 : i32
    }
    %scan3A_5 = arith.constant 128 : i32
    %scan3A_6 = arith.constant 0 : i32
    %scan3A_7 = arith.constant 5 : i32
    %scan3A_8 = arith.addi %scan3A_6, %scan3A_7 : i32
    %scan3A_9 = arith.constant 1 : i32
    scf.for %scan3A_21 = %scan3A_6 to %scan3A_8 step %scan3A_9  : i32 {
      %mul3A_22 = arith.constant 1 : i32
      %mul3A_23 = arith.muli %scan3A_21, %mul3A_22 : i32
      %add3A_24 = arith.constant 0 : i32
      %add3A_25 = arith.addi %add3A_24, %mul3A_23 : i32
      %mul3A_26 = arith.constant 640 : i32
      %mul3A_27 = arith.muli %arg1, %mul3A_26 : i32
      %mul3A_28 = arith.constant 128 : i32
      %mul3A_29 = arith.muli %add3A_25, %mul3A_28 : i32
      %add3A_30 = arith.addi %mul3A_27, %mul3A_29 : i32
      "tpu.region"() ({
        %run_scoped3A = tpu.sem_alloc : memref<!tpu.dma_semaphore, #tpu.memory_space<semaphore_mem>>
        %dma_start3A = arith.constant 0 : i32
        %dma_start3A_31 = tpu.memref_slice %arg9[%add3A_30, %dma_start3A] : memref<10240x128xf32, #tpu.memory_space<vmem_shared>> -> memref<128x128xf32, #tpu.memory_space<vmem_shared>>
        %dma_start3A_32 = arith.constant 0 : i32
        %dma_start3A_33 = tpu.memref_slice %arg9[%add3A_30, %dma_start3A_32] : memref<10240x128xf32, #tpu.memory_space<vmem_shared>> -> memref<128x128xf32, #tpu.memory_space<vmem_shared>>
        tpu.enqueue_dma source(%arg8 : memref<128x128xf32, #tpu.memory_space<vmem>>) target(%dma_start3A_33 : memref<128x128xf32, #tpu.memory_space<vmem_shared>>) target_semaphore(%run_scoped3A : memref<!tpu.dma_semaphore, #tpu.memory_space<semaphore_mem>>)
        %dma_wait3A = arith.constant 0 : i32
        %dma_wait3A_34 = tpu.memref_slice %arg9[%add3A_30, %dma_wait3A] : memref<10240x128xf32, #tpu.memory_space<vmem_shared>> -> memref<128x128xf32, #tpu.memory_space<vmem_shared>>
        %dma_wait3A_35 = arith.constant 0 : i32
        %dma_wait3A_36 = tpu.memref_slice %arg9[%add3A_30, %dma_wait3A_35] : memref<10240x128xf32, #tpu.memory_space<vmem_shared>> -> memref<128x128xf32, #tpu.memory_space<vmem_shared>>
        tpu.wait_dma2 semaphore(%run_scoped3A : memref<!tpu.dma_semaphore, #tpu.memory_space<semaphore_mem>>) src(%arg8 : memref<128x128xf32, #tpu.memory_space<vmem>>) dst(%dma_wait3A_36 : memref<128x128xf32, #tpu.memory_space<vmem_shared>>)
        tpu.yield
      }) : () -> ()
    }
    %scan3A_10 = arith.constant 5 : i32
    %barrier3A = arith.constant 0 : index
    tpu.barrier barrier_id(%barrier3A)
    %scan3A_11 = arith.constant 0 : i32
    %scan3A_12 = arith.constant 79 : i32
    %scan3A_13 = arith.addi %scan3A_11, %scan3A_12 : i32
    %scan3A_14 = arith.constant 1 : i32
    scf.for %scan3A_21 = %scan3A_11 to %scan3A_13 step %scan3A_14  : i32 {
      %mul3A_22 = arith.constant 1 : i32
      %mul3A_23 = arith.muli %scan3A_21, %mul3A_22 : i32
      %add3A_24 = arith.constant 0 : i32
      %add3A_25 = arith.addi %add3A_24, %mul3A_23 : i32
      %dma_start3A = arith.constant 0 : i32
      %dma_start3A_26 = tpu.memref_slice %arg6[%add3A_25, %dma_start3A] : memref<79x128xi32, #tpu.memory_space<vmem>> -> memref<1x128xi32, #tpu.memory_space<vmem>>
      %dma_start3A_27 = tpu.memref_squeeze %dma_start3A_26 : memref<1x128xi32, #tpu.memory_space<vmem>> -> memref<128xi32, #tpu.memory_space<vmem>>
      %dma_start3A_28 = arith.constant 0 : i32
      %dma_start3A_29 = arith.constant 0 : i32
      %dma_start3A_30 = tpu.memref_slice %arg2[%dma_start3A_28, %dma_start3A_29] : memref<10240x128xf32, #tpu.memory_space<hbm>> -> memref<10240x128xf32, #tpu.memory_space<hbm>>
      tpu.enqueue_indirect_dma source(%dma_start3A_30 : memref<10240x128xf32, #tpu.memory_space<hbm>>) target(%arg8 : memref<128x128xf32, #tpu.memory_space<vmem>>) offsets(%dma_start3A_27 : memref<128xi32, #tpu.memory_space<vmem>>) semaphore(%arg10 : memref<!tpu.dma_semaphore, #tpu.memory_space<semaphore_mem>>)
      %dma_wait3A = arith.constant 0 : i32
      %dma_wait3A_31 = tpu.memref_slice %arg6[%add3A_25, %dma_wait3A] : memref<79x128xi32, #tpu.memory_space<vmem>> -> memref<1x128xi32, #tpu.memory_space<vmem>>
      %dma_wait3A_32 = tpu.memref_squeeze %dma_wait3A_31 : memref<1x128xi32, #tpu.memory_space<vmem>> -> memref<128xi32, #tpu.memory_space<vmem>>
      %dma_wait3A_33 = arith.constant 0 : i32
      %dma_wait3A_34 = arith.constant 0 : i32
      %dma_wait3A_35 = tpu.memref_slice %arg2[%dma_wait3A_33, %dma_wait3A_34] : memref<10240x128xf32, #tpu.memory_space<hbm>> -> memref<10240x128xf32, #tpu.memory_space<hbm>>
      tpu.wait_indirect_dma semaphore(%arg10 : memref<!tpu.dma_semaphore, #tpu.memory_space<semaphore_mem>>) src(%dma_wait3A_35 : memref<10240x128xf32, #tpu.memory_space<hbm>>) dst(%arg8 : memref<128x128xf32, #tpu.memory_space<vmem>>)
      "tpu.region"() ({
        %run_scoped3A = tpu.sem_alloc : memref<!tpu.dma_semaphore, #tpu.memory_space<semaphore_mem>>
        %dma_start3A_36 = arith.constant 0 : i32
        %dma_start3A_37 = tpu.memref_slice %arg7[%add3A_25, %dma_start3A_36] : memref<79x128xi32, #tpu.memory_space<vmem>> -> memref<1x128xi32, #tpu.memory_space<vmem>>
        %dma_start3A_38 = tpu.memref_squeeze %dma_start3A_37 : memref<1x128xi32, #tpu.memory_space<vmem>> -> memref<128xi32, #tpu.memory_space<vmem>>
        %dma_start3A_39 = arith.constant 0 : i32
        %dma_start3A_40 = arith.constant 0 : i32
        %dma_start3A_41 = tpu.memref_slice %arg9[%dma_start3A_39, %dma_start3A_40] : memref<10240x128xf32, #tpu.memory_space<vmem_shared>> -> memref<10240x128xf32, #tpu.memory_space<vmem_shared>>
        tpu.enqueue_indirect_dma source(%arg8 : memref<128x128xf32, #tpu.memory_space<vmem>>) target(%dma_start3A_41 : memref<10240x128xf32, #tpu.memory_space<vmem_shared>>) offsets(%dma_start3A_38 : memref<128xi32, #tpu.memory_space<vmem>>) semaphore(%run_scoped3A : memref<!tpu.dma_semaphore, #tpu.memory_space<semaphore_mem>>) {add = true}
        %dma_wait3A_42 = arith.constant 0 : i32
        %dma_wait3A_43 = tpu.memref_slice %arg7[%add3A_25, %dma_wait3A_42] : memref<79x128xi32, #tpu.memory_space<vmem>> -> memref<1x128xi32, #tpu.memory_space<vmem>>
        %dma_wait3A_44 = tpu.memref_squeeze %dma_wait3A_43 : memref<1x128xi32, #tpu.memory_space<vmem>> -> memref<128xi32, #tpu.memory_space<vmem>>
        %dma_wait3A_45 = arith.constant 0 : i32
        %dma_wait3A_46 = arith.constant 0 : i32
        %dma_wait3A_47 = tpu.memref_slice %arg9[%dma_wait3A_45, %dma_wait3A_46] : memref<10240x128xf32, #tpu.memory_space<vmem_shared>> -> memref<10240x128xf32, #tpu.memory_space<vmem_shared>>
        tpu.wait_indirect_dma semaphore(%run_scoped3A : memref<!tpu.dma_semaphore, #tpu.memory_space<semaphore_mem>>) src(%arg8 : memref<128x128xf32, #tpu.memory_space<vmem>>) dst(%dma_wait3A_47 : memref<10240x128xf32, #tpu.memory_space<vmem_shared>>)
        tpu.yield
      }) : () -> ()
    }
    %scan3A_15 = arith.constant 79 : i32
    %barrier3A_16 = arith.constant 0 : index
    tpu.barrier barrier_id(%barrier3A_16)
    %mul3A_17 = arith.constant 640 : i32
    %mul3A_18 = arith.muli %arg1, %mul3A_17 : i32
    %mul3A_19 = arith.constant 640 : i32
    %mul3A_20 = arith.muli %arg1, %mul3A_19 : i32
    "tpu.region"() ({
      %run_scoped3A = tpu.sem_alloc : memref<!tpu.dma_semaphore, #tpu.memory_space<semaphore_mem>>
      %dma_start3A = arith.constant 0 : i32
      %dma_start3A_21 = arith.constant 0 : i32
      %dma_start3A_22 = tpu.memref_slice %arg5[%arg0, %dma_start3A, %dma_start3A_21] : memref<2x10240x128xf32, #tpu.memory_space<hbm>> -> memref<1x10240x128xf32, #tpu.memory_space<hbm>>
      %dma_start3A_23 = tpu.memref_squeeze %dma_start3A_22 : memref<1x10240x128xf32, #tpu.memory_space<hbm>> -> memref<10240x128xf32, #tpu.memory_space<hbm>>
      %dma_start3A_24 = arith.constant 0 : i32
      %dma_start3A_25 = tpu.memref_slice %dma_start3A_23[%mul3A_20, %dma_start3A_24] : memref<10240x128xf32, #tpu.memory_space<hbm>> -> memref<640x128xf32, #tpu.memory_space<hbm>>
      %dma_start3A_26 = arith.constant 0 : i32
      %dma_start3A_27 = tpu.memref_slice %arg9[%mul3A_18, %dma_start3A_26] : memref<10240x128xf32, #tpu.memory_space<vmem_shared>> -> memref<640x128xf32, #tpu.memory_space<vmem_shared>>
      tpu.enqueue_dma source(%dma_start3A_27 : memref<640x128xf32, #tpu.memory_space<vmem_shared>>) target(%dma_start3A_25 : memref<640x128xf32, #tpu.memory_space<hbm>>) target_semaphore(%run_scoped3A : memref<!tpu.dma_semaphore, #tpu.memory_space<semaphore_mem>>)
      %dma_wait3A = arith.constant 0 : i32
      %dma_wait3A_28 = arith.constant 0 : i32
      %dma_wait3A_29 = tpu.memref_slice %arg5[%arg0, %dma_wait3A, %dma_wait3A_28] : memref<2x10240x128xf32, #tpu.memory_space<hbm>> -> memref<1x10240x128xf32, #tpu.memory_space<hbm>>
      %dma_wait3A_30 = tpu.memref_squeeze %dma_wait3A_29 : memref<1x10240x128xf32, #tpu.memory_space<hbm>> -> memref<10240x128xf32, #tpu.memory_space<hbm>>
      %dma_wait3A_31 = arith.constant 0 : i32
      %dma_wait3A_32 = tpu.memref_slice %dma_wait3A_30[%mul3A_20, %dma_wait3A_31] : memref<10240x128xf32, #tpu.memory_space<hbm>> -> memref<640x128xf32, #tpu.memory_space<hbm>>
      %dma_wait3A_33 = arith.constant 0 : i32
      %dma_wait3A_34 = tpu.memref_slice %arg9[%mul3A_18, %dma_wait3A_33] : memref<10240x128xf32, #tpu.memory_space<vmem_shared>> -> memref<640x128xf32, #tpu.memory_space<vmem_shared>>
      tpu.wait_dma2 semaphore(%run_scoped3A : memref<!tpu.dma_semaphore, #tpu.memory_space<semaphore_mem>>) src(%dma_wait3A_34 : memref<640x128xf32, #tpu.memory_space<vmem_shared>>) dst(%dma_wait3A_32 : memref<640x128xf32, #tpu.memory_space<hbm>>)
      tpu.yield
    }) : () -> ()
    return
  }
}

module attributes {stable_mosaic.version = 14 : i64} {
  func.func @_tc1_body(%arg0: i32, %arg1: memref<256x128xf32, #tpu.memory_space<vmem>>, %arg2: memref<128x128xf32, #tpu.memory_space<vmem>>, %arg3: memref<32x256xf32, #tpu.memory_space<vmem>>, %arg4: memref<256x128xf32, #tpu.memory_space<vmem>>) attributes {dimension_semantics = [#tpu.dimension_semantics<arbitrary>], iteration_bounds = array<i64: 40>, scalar_prefetch = 0 : i64, scratch_operands = 0 : i64, tpu.core_type = #tpu.core_type<tc>, window_params = [{transform_indices = @transform_0, window_bounds = array<i64: 256, 128>}, {pipeline_mode = #tpu.pipeline_mode<synchronous>, transform_indices = @transform_1, window_bounds = array<i64: 128, 128>}, {transform_indices = @transform_2, window_bounds = array<i64: 32, 256>}, {transform_indices = @transform_3, window_bounds = array<i64: 256, 128>}]} {
    %get3A = arith.constant 0 : index
    %get3A_0 = arith.constant 0 : index
    %get3A_1 = vector.load %arg3[%get3A, %get3A_0] : memref<32x256xf32, #tpu.memory_space<vmem>>, vector<32x256xf32>
    %broadcast_in_dim3A = arith.constant 1.000000e+00 : f32
    %broadcast_in_dim3A_2 = vector.broadcast %broadcast_in_dim3A : f32 to vector<32x1xf32>
    %dot_general3A = arith.constant dense<0.000000e+00> : vector<256x1xf32>
    %dot_general3A_3 = tpu.matmul %get3A_1, %broadcast_in_dim3A_2, %dot_general3A {dimension_numbers = #tpu.dot_dimension_numbers<[0], [0], [1], [1], [0, 1, 1, 1], [], []>, transpose_lhs_hint = false} : vector<32x256xf32>, vector<32x1xf32>, vector<256x1xf32> -> vector<256x1xf32>
    %add3A = arith.constant 1.000000e+00 : f32
    %add3A_4 = vector.broadcast %add3A : f32 to vector<256x1xf32>
    %add3A_5 = arith.addf %dot_general3A_3, %add3A_4 : vector<256x1xf32>
    %rsqrt3A = math.rsqrt %add3A_5 : vector<256x1xf32>
    %get3A_6 = arith.constant 0 : index
    %get3A_7 = arith.constant 0 : index
    %get3A_8 = vector.load %arg1[%get3A_6, %get3A_7] : memref<256x128xf32, #tpu.memory_space<vmem>>, vector<256x128xf32>
    %get3A_9 = arith.constant 0 : index
    %get3A_10 = arith.constant 0 : index
    %get3A_11 = vector.load %arg2[%get3A_9, %get3A_10] : memref<128x128xf32, #tpu.memory_space<vmem>>, vector<128x128xf32>
    %dot_general3A_12 = arith.constant dense<0.000000e+00> : vector<256x128xf32>
    %dot_general3A_13 = tpu.matmul %get3A_8, %get3A_11, %dot_general3A_12 {dimension_numbers = #tpu.dot_dimension_numbers<[1], [0], [0], [1], [0, 0, 1, 1], [], []>, transpose_lhs_hint = false} : vector<256x128xf32>, vector<128x128xf32>, vector<256x128xf32> -> vector<256x128xf32>
    %mul3A = vector.broadcast %rsqrt3A : vector<256x1xf32> to vector<256x128xf32>
    %mul3A_14 = arith.mulf %mul3A, %dot_general3A_13 : vector<256x128xf32>
    %swap3A = arith.constant 0 : index
    %swap3A_15 = arith.constant 0 : index
    %swap3A_16 = vector.load %arg4[%swap3A, %swap3A_15] : memref<256x128xf32, #tpu.memory_space<vmem>>, vector<256x128xf32>
    tpu.vector_store %arg4[%swap3A, %swap3A_15], %mul3A_14 {strides = array<i32>} : memref<256x128xf32, #tpu.memory_space<vmem>>, vector<256x128xf32>,
    return
  }
  func.func @transform_0(%arg0: i32) -> (i32, i32) {
    %c0_i32 = arith.constant 0 : i32
    %c0_i32_0 = arith.constant 0 : i32
    return %arg0, %c0_i32 : i32, i32
  }
  func.func @transform_1(%arg0: i32) -> (i32, i32) {
    %c0_i32 = arith.constant 0 : i32
    %c0_i32_0 = arith.constant 0 : i32
    %c0_i32_1 = arith.constant 0 : i32
    return %c0_i32, %c0_i32_0 : i32, i32
  }
  func.func @transform_2(%arg0: i32) -> (i32, i32) {
    %c0_i32 = arith.constant 0 : i32
    %c0_i32_0 = arith.constant 0 : i32
    return %c0_i32, %arg0 : i32, i32
  }
  func.func @transform_3(%arg0: i32) -> (i32, i32) {
    %c0_i32 = arith.constant 0 : i32
    %c0_i32_0 = arith.constant 0 : i32
    return %arg0, %c0_i32 : i32, i32
  }
}

module attributes {stable_mosaic.version = 14 : i64} {
  func.func @_tc2_body(%arg0: i32, %arg1: memref<1x256x128xf32, #tpu.memory_space<vmem>>, %arg2: memref<1x256x128xf32, #tpu.memory_space<vmem>>, %arg3: memref<256x128xf32, #tpu.memory_space<vmem>>, %arg4: memref<32x256xf32, #tpu.memory_space<vmem>>, %arg5: memref<8x128xf32, #tpu.memory_space<vmem>>, %arg6: memref<128x128xf32, #tpu.memory_space<vmem>>, %arg7: memref<256x128xf32, #tpu.memory_space<vmem>>) attributes {dimension_semantics = [#tpu.dimension_semantics<arbitrary>], iteration_bounds = array<i64: 40>, scalar_prefetch = 0 : i64, scratch_operands = 0 : i64, tpu.core_type = #tpu.core_type<tc>, window_params = [{transform_indices = @transform_0, window_bounds = array<i64: 1, 256, 128>}, {transform_indices = @transform_1, window_bounds = array<i64: 1, 256, 128>}, {transform_indices = @transform_2, window_bounds = array<i64: 256, 128>}, {transform_indices = @transform_3, window_bounds = array<i64: 32, 256>}, {pipeline_mode = #tpu.pipeline_mode<synchronous>, transform_indices = @transform_4, window_bounds = array<i64: 8, 128>}, {pipeline_mode = #tpu.pipeline_mode<synchronous>, transform_indices = @transform_5, window_bounds = array<i64: 128, 128>}, {transform_indices = @transform_6, window_bounds = array<i64: 256, 128>}]} {
    %get3A = arith.constant 0 : index
    %get3A_0 = arith.constant 0 : index
    %get3A_1 = vector.load %arg4[%get3A, %get3A_0] : memref<32x256xf32, #tpu.memory_space<vmem>>, vector<32x256xf32>
    %broadcast_in_dim3A = arith.constant 1.000000e+00 : f32
    %broadcast_in_dim3A_2 = vector.broadcast %broadcast_in_dim3A : f32 to vector<32x1xf32>
    %dot_general3A = arith.constant dense<0.000000e+00> : vector<256x1xf32>
    %dot_general3A_3 = tpu.matmul %get3A_1, %broadcast_in_dim3A_2, %dot_general3A {dimension_numbers = #tpu.dot_dimension_numbers<[0], [0], [1], [1], [0, 1, 1, 1], [], []>, transpose_lhs_hint = false} : vector<32x256xf32>, vector<32x1xf32>, vector<256x1xf32> -> vector<256x1xf32>
    %add3A = arith.constant 1.000000e+00 : f32
    %add3A_4 = vector.broadcast %add3A : f32 to vector<256x1xf32>
    %add3A_5 = arith.addf %dot_general3A_3, %add3A_4 : vector<256x1xf32>
    %rsqrt3A = math.rsqrt %add3A_5 : vector<256x1xf32>
    %get3A_6 = arith.constant 0 : index
    %get3A_7 = arith.constant 0 : index
    %get3A_8 = arith.constant 0 : index
    %get3A_9 = vector.load %arg1[%get3A_6, %get3A_7, %get3A_8] : memref<1x256x128xf32, #tpu.memory_space<vmem>>, vector<1x256x128xf32>
    %get3A_10 = vector.shape_cast %get3A_9 : vector<1x256x128xf32> to vector<256x128xf32>
    %get3A_11 = arith.constant 0 : index
    %get3A_12 = arith.constant 0 : index
    %get3A_13 = arith.constant 0 : index
    %get3A_14 = vector.load %arg2[%get3A_11, %get3A_12, %get3A_13] : memref<1x256x128xf32, #tpu.memory_space<vmem>>, vector<1x256x128xf32>
    %get3A_15 = vector.shape_cast %get3A_14 : vector<1x256x128xf32> to vector<256x128xf32>
    %add3A_16 = arith.addf %get3A_10, %get3A_15 : vector<256x128xf32>
    %get3A_17 = arith.constant 0 : index
    %get3A_18 = arith.constant 0 : index
    %get3A_19 = vector.load %arg3[%get3A_17, %get3A_18] : memref<256x128xf32, #tpu.memory_space<vmem>>, vector<256x128xf32>
    %add3A_20 = arith.addf %add3A_16, %get3A_19 : vector<256x128xf32>
    %mul3A = vector.broadcast %rsqrt3A : vector<256x1xf32> to vector<256x128xf32>
    %mul3A_21 = arith.mulf %mul3A, %add3A_20 : vector<256x128xf32>
    %get3A_22 = arith.constant 0 : index
    %get3A_23 = arith.constant 0 : index
    %get3A_24 = vector.load %arg5[%get3A_22, %get3A_23] : memref<8x128xf32, #tpu.memory_space<vmem>>, vector<1x128xf32>
    %add3A_25 = vector.broadcast %get3A_24 : vector<1x128xf32> to vector<256x128xf32>
    %add3A_26 = arith.addf %mul3A_21, %add3A_25 : vector<256x128xf32>
    %max3A = arith.constant 0.000000e+00 : f32
    %max3A_27 = vector.broadcast %max3A : f32 to vector<256x128xf32>
    %max3A_28 = arith.maximumf %add3A_26, %max3A_27 : vector<256x128xf32>
    %get3A_29 = arith.constant 0 : index
    %get3A_30 = arith.constant 0 : index
    %get3A_31 = vector.load %arg6[%get3A_29, %get3A_30] : memref<128x128xf32, #tpu.memory_space<vmem>>, vector<128x128xf32>
    %dot_general3A_32 = arith.constant dense<0.000000e+00> : vector<256x128xf32>
    %dot_general3A_33 = tpu.matmul %max3A_28, %get3A_31, %dot_general3A_32 {dimension_numbers = #tpu.dot_dimension_numbers<[1], [0], [0], [1], [0, 0, 1, 1], [], []>, transpose_lhs_hint = false} : vector<256x128xf32>, vector<128x128xf32>, vector<256x128xf32> -> vector<256x128xf32>
    %mul3A_34 = vector.broadcast %rsqrt3A : vector<256x1xf32> to vector<256x128xf32>
    %mul3A_35 = arith.mulf %mul3A_34, %dot_general3A_33 : vector<256x128xf32>
    %swap3A = arith.constant 0 : index
    %swap3A_36 = arith.constant 0 : index
    %swap3A_37 = vector.load %arg7[%swap3A, %swap3A_36] : memref<256x128xf32, #tpu.memory_space<vmem>>, vector<256x128xf32>
    tpu.vector_store %arg7[%swap3A, %swap3A_36], %mul3A_35 {strides = array<i32>} : memref<256x128xf32, #tpu.memory_space<vmem>>, vector<256x128xf32>,
    return
  }
  func.func @transform_0(%arg0: i32) -> (i32, i32, i32) {
    %c0_i32 = arith.constant 0 : i32
    %c0_i32_0 = arith.constant 0 : i32
    %c0_i32_1 = arith.constant 0 : i32
    return %c0_i32, %arg0, %c0_i32_0 : i32, i32, i32
  }
  func.func @transform_1(%arg0: i32) -> (i32, i32, i32) {
    %c1_i32 = arith.constant 1 : i32
    %c0_i32 = arith.constant 0 : i32
    %c0_i32_0 = arith.constant 0 : i32
    return %c1_i32, %arg0, %c0_i32 : i32, i32, i32
  }
  func.func @transform_2(%arg0: i32) -> (i32, i32) {
    %c0_i32 = arith.constant 0 : i32
    %c0_i32_0 = arith.constant 0 : i32
    return %arg0, %c0_i32 : i32, i32
  }
  func.func @transform_3(%arg0: i32) -> (i32, i32) {
    %c0_i32 = arith.constant 0 : i32
    %c0_i32_0 = arith.constant 0 : i32
    return %c0_i32, %arg0 : i32, i32
  }
  func.func @transform_4(%arg0: i32) -> (i32, i32) {
    %c0_i32 = arith.constant 0 : i32
    %c0_i32_0 = arith.constant 0 : i32
    %c0_i32_1 = arith.constant 0 : i32
    return %c0_i32, %c0_i32_0 : i32, i32
  }
  func.func @transform_5(%arg0: i32) -> (i32, i32) {
    %c0_i32 = arith.constant 0 : i32
    %c0_i32_0 = arith.constant 0 : i32
    %c0_i32_1 = arith.constant 0 : i32
    return %c0_i32, %c0_i32_0 : i32, i32
  }
  func.func @transform_6(%arg0: i32) -> (i32, i32) {
    %c0_i32 = arith.constant 0 : i32
    %c0_i32_0 = arith.constant 0 : i32
    return %arg0, %c0_i32 : i32, i32
  }
}

module attributes {stable_mosaic.version = 14 : i64} {
  func.func @_tc3_body(%arg0: i32, %arg1: memref<1x256x128xf32, #tpu.memory_space<vmem>>, %arg2: memref<1x256x128xf32, #tpu.memory_space<vmem>>, %arg3: memref<256x128xf32, #tpu.memory_space<vmem>>, %arg4: memref<32x256xf32, #tpu.memory_space<vmem>>, %arg5: memref<8x128xf32, #tpu.memory_space<vmem>>, %arg6: memref<1x1x256xi32, #tpu.memory_space<vmem>>, %arg7: memref<128x128xf32, #tpu.memory_space<vmem>>, %arg8: memref<8x128xf32, #tpu.memory_space<vmem>>, %arg9: memref<128x128xf32, #tpu.memory_space<vmem>>, %arg10: memref<8x128xf32, #tpu.memory_space<vmem>>, %arg11: memref<64x128xf32, #tpu.memory_space<vmem>>, %arg12: memref<64x128xf32, #tpu.memory_space<vmem>>) attributes {dimension_semantics = [#tpu.dimension_semantics<arbitrary>], iteration_bounds = array<i64: 40>, scalar_prefetch = 0 : i64, scratch_operands = 1 : i64, tpu.core_type = #tpu.core_type<tc>, window_params = [{transform_indices = @transform_0, window_bounds = array<i64: 1, 256, 128>}, {transform_indices = @transform_1, window_bounds = array<i64: 1, 256, 128>}, {transform_indices = @transform_2, window_bounds = array<i64: 256, 128>}, {transform_indices = @transform_3, window_bounds = array<i64: 32, 256>}, {pipeline_mode = #tpu.pipeline_mode<synchronous>, transform_indices = @transform_4, window_bounds = array<i64: 8, 128>}, {transform_indices = @transform_5, window_bounds = array<i64: 1, 1, 256>}, {pipeline_mode = #tpu.pipeline_mode<synchronous>, transform_indices = @transform_6, window_bounds = array<i64: 128, 128>}, {pipeline_mode = #tpu.pipeline_mode<synchronous>, transform_indices = @transform_7, window_bounds = array<i64: 8, 128>}, {pipeline_mode = #tpu.pipeline_mode<synchronous>, transform_indices = @transform_8, window_bounds = array<i64: 128, 128>}, {pipeline_mode = #tpu.pipeline_mode<synchronous>, transform_indices = @transform_9, window_bounds = array<i64: 8, 128>}, {pipeline_mode = #tpu.pipeline_mode<synchronous>, transform_indices = @transform_10, window_bounds = array<i64: 64, 128>}]} {
    %eq3A = arith.constant 0 : i32
    %eq3A_0 = arith.cmpi eq, %arg0, %eq3A : i32
    %convert_element_type3A = arith.extui %eq3A_0 : i1 to i32
    %cond3A = arith.constant 0 : i32
    %cond3A_1 = arith.cmpi ne, %convert_element_type3A, %cond3A : i32
    scf.if %cond3A_1 {
      %broadcast_in_dim3A_54 = arith.constant 0.000000e+00 : f32
      %broadcast_in_dim3A_55 = vector.broadcast %broadcast_in_dim3A_54 : f32 to vector<64x128xf32>
      %swap3A_56 = arith.constant 0 : index
      %swap3A_57 = arith.constant 0 : index
      %swap3A_58 = vector.load %arg12[%swap3A_56, %swap3A_57] : memref<64x128xf32, #tpu.memory_space<vmem>>, vector<64x128xf32>
      tpu.vector_store %arg12[%swap3A_56, %swap3A_57], %broadcast_in_dim3A_55 {strides = array<i32>} : memref<64x128xf32, #tpu.memory_space<vmem>>, vector<64x128xf32>,
    } else {
    }
    %get3A = arith.constant 0 : index
    %get3A_2 = arith.constant 0 : index
    %get3A_3 = vector.load %arg4[%get3A, %get3A_2] : memref<32x256xf32, #tpu.memory_space<vmem>>, vector<32x256xf32>
    %broadcast_in_dim3A = arith.constant 1.000000e+00 : f32
    %broadcast_in_dim3A_4 = vector.broadcast %broadcast_in_dim3A : f32 to vector<32x1xf32>
    %dot_general3A = arith.constant dense<0.000000e+00> : vector<256x1xf32>
    %dot_general3A_5 = tpu.matmul %get3A_3, %broadcast_in_dim3A_4, %dot_general3A {dimension_numbers = #tpu.dot_dimension_numbers<[0], [0], [1], [1], [0, 1, 1, 1], [], []>, transpose_lhs_hint = false} : vector<32x256xf32>, vector<32x1xf32>, vector<256x1xf32> -> vector<256x1xf32>
    %add3A = arith.constant 1.000000e+00 : f32
    %add3A_6 = vector.broadcast %add3A : f32 to vector<256x1xf32>
    %add3A_7 = arith.addf %dot_general3A_5, %add3A_6 : vector<256x1xf32>
    %rsqrt3A = math.rsqrt %add3A_7 : vector<256x1xf32>
    %get3A_8 = arith.constant 0 : index
    %get3A_9 = arith.constant 0 : index
    %get3A_10 = arith.constant 0 : index
    %get3A_11 = vector.load %arg1[%get3A_8, %get3A_9, %get3A_10] : memref<1x256x128xf32, #tpu.memory_space<vmem>>, vector<1x256x128xf32>
    %get3A_12 = vector.shape_cast %get3A_11 : vector<1x256x128xf32> to vector<256x128xf32>
    %get3A_13 = arith.constant 0 : index
    %get3A_14 = arith.constant 0 : index
    %get3A_15 = arith.constant 0 : index
    %get3A_16 = vector.load %arg2[%get3A_13, %get3A_14, %get3A_15] : memref<1x256x128xf32, #tpu.memory_space<vmem>>, vector<1x256x128xf32>
    %get3A_17 = vector.shape_cast %get3A_16 : vector<1x256x128xf32> to vector<256x128xf32>
    %add3A_18 = arith.addf %get3A_12, %get3A_17 : vector<256x128xf32>
    %get3A_19 = arith.constant 0 : index
    %get3A_20 = arith.constant 0 : index
    %get3A_21 = vector.load %arg3[%get3A_19, %get3A_20] : memref<256x128xf32, #tpu.memory_space<vmem>>, vector<256x128xf32>
    %add3A_22 = arith.addf %add3A_18, %get3A_21 : vector<256x128xf32>
    %mul3A = vector.broadcast %rsqrt3A : vector<256x1xf32> to vector<256x128xf32>
    %mul3A_23 = arith.mulf %mul3A, %add3A_22 : vector<256x128xf32>
    %get3A_24 = arith.constant 0 : index
    %get3A_25 = arith.constant 0 : index
    %get3A_26 = vector.load %arg5[%get3A_24, %get3A_25] : memref<8x128xf32, #tpu.memory_space<vmem>>, vector<1x128xf32>
    %add3A_27 = vector.broadcast %get3A_26 : vector<1x128xf32> to vector<256x128xf32>
    %add3A_28 = arith.addf %mul3A_23, %add3A_27 : vector<256x128xf32>
    %max3A = arith.constant 0.000000e+00 : f32
    %max3A_29 = vector.broadcast %max3A : f32 to vector<256x128xf32>
    %max3A_30 = arith.maximumf %add3A_28, %max3A_29 : vector<256x128xf32>
    %get3A_31 = arith.constant 0 : index
    %get3A_32 = arith.constant 0 : index
    %get3A_33 = arith.constant 0 : index
    %get3A_34 = vector.load %arg6[%get3A_31, %get3A_32, %get3A_33] : memref<1x1x256xi32, #tpu.memory_space<vmem>>, vector<1x1x256xi32>
    %get3A_35 = vector.shape_cast %get3A_34 : vector<1x1x256xi32> to vector<1x256xi32>
    %iota3A = tpu.iota {dimensions = array<i32: 0>} : vector<64x256xi32>
    %broadcast_in_dim3A_36 = vector.shape_cast %get3A_35 : vector<1x256xi32> to vector<1x256xi32>
    %broadcast_in_dim3A_37 = vector.broadcast %broadcast_in_dim3A_36 : vector<1x256xi32> to vector<64x256xi32>
    %eq3A_38 = arith.cmpi eq, %iota3A, %broadcast_in_dim3A_37 : vector<64x256xi32>
    %convert_element_type3A_39 = arith.extui %eq3A_38 : vector<64x256xi1> to vector<64x256xi32>
    %convert_element_type3A_40 = arith.sitofp %convert_element_type3A_39 : vector<64x256xi32> to vector<64x256xf32>
    %get3A_41 = arith.constant 0 : index
    %get3A_42 = arith.constant 0 : index
    %get3A_43 = vector.load %arg12[%get3A_41, %get3A_42] : memref<64x128xf32, #tpu.memory_space<vmem>>, vector<64x128xf32>
    %dot_general3A_44 = arith.constant dense<0.000000e+00> : vector<64x128xf32>
    %dot_general3A_45 = tpu.matmul %convert_element_type3A_40, %max3A_30, %dot_general3A_44 {dimension_numbers = #tpu.dot_dimension_numbers<[1], [0], [0], [1], [0, 0, 1, 1], [], []>, transpose_lhs_hint = false} : vector<64x256xf32>, vector<256x128xf32>, vector<64x128xf32> -> vector<64x128xf32>
    %add3A_46 = arith.addf %get3A_43, %dot_general3A_45 : vector<64x128xf32>
    %swap3A = arith.constant 0 : index
    %swap3A_47 = arith.constant 0 : index
    %swap3A_48 = vector.load %arg12[%swap3A, %swap3A_47] : memref<64x128xf32, #tpu.memory_space<vmem>>, vector<64x128xf32>
    tpu.vector_store %arg12[%swap3A, %swap3A_47], %add3A_46 {strides = array<i32>} : memref<64x128xf32, #tpu.memory_space<vmem>>, vector<64x128xf32>,
    %eq3A_49 = arith.constant 39 : i32
    %eq3A_50 = arith.cmpi eq, %arg0, %eq3A_49 : i32
    %convert_element_type3A_51 = arith.extui %eq3A_50 : i1 to i32
    %cond3A_52 = arith.constant 0 : i32
    %cond3A_53 = arith.cmpi ne, %convert_element_type3A_51, %cond3A_52 : i32
    scf.if %cond3A_53 {
      %get3A_54 = arith.constant 0 : index
      %get3A_55 = arith.constant 0 : index
      %get3A_56 = vector.load %arg12[%get3A_54, %get3A_55] : memref<64x128xf32, #tpu.memory_space<vmem>>, vector<64x128xf32>
      %get3A_57 = arith.constant 0 : index
      %get3A_58 = arith.constant 0 : index
      %get3A_59 = vector.load %arg7[%get3A_57, %get3A_58] : memref<128x128xf32, #tpu.memory_space<vmem>>, vector<128x128xf32>
      %dot_general3A_60 = arith.constant dense<0.000000e+00> : vector<64x128xf32>
      %dot_general3A_61 = tpu.matmul %get3A_56, %get3A_59, %dot_general3A_60 {dimension_numbers = #tpu.dot_dimension_numbers<[1], [0], [0], [1], [0, 0, 1, 1], [], []>, transpose_lhs_hint = false} : vector<64x128xf32>, vector<128x128xf32>, vector<64x128xf32> -> vector<64x128xf32>
      %get3A_62 = arith.constant 0 : index
      %get3A_63 = arith.constant 0 : index
      %get3A_64 = vector.load %arg8[%get3A_62, %get3A_63] : memref<8x128xf32, #tpu.memory_space<vmem>>, vector<1x128xf32>
      %add3A_65 = vector.broadcast %get3A_64 : vector<1x128xf32> to vector<64x128xf32>
      %add3A_66 = arith.addf %dot_general3A_61, %add3A_65 : vector<64x128xf32>
      %max3A_67 = arith.constant 0.000000e+00 : f32
      %max3A_68 = vector.broadcast %max3A_67 : f32 to vector<64x128xf32>
      %max3A_69 = arith.maximumf %add3A_66, %max3A_68 : vector<64x128xf32>
      %get3A_70 = arith.constant 0 : index
      %get3A_71 = arith.constant 0 : index
      %get3A_72 = vector.load %arg9[%get3A_70, %get3A_71] : memref<128x128xf32, #tpu.memory_space<vmem>>, vector<128x128xf32>
      %dot_general3A_73 = arith.constant dense<0.000000e+00> : vector<64x128xf32>
      %dot_general3A_74 = tpu.matmul %max3A_69, %get3A_72, %dot_general3A_73 {dimension_numbers = #tpu.dot_dimension_numbers<[1], [0], [0], [1], [0, 0, 1, 1], [], []>, transpose_lhs_hint = false} : vector<64x128xf32>, vector<128x128xf32>, vector<64x128xf32> -> vector<64x128xf32>
      %get3A_75 = arith.constant 0 : index
      %get3A_76 = arith.constant 0 : index
      %get3A_77 = vector.load %arg10[%get3A_75, %get3A_76] : memref<8x128xf32, #tpu.memory_space<vmem>>, vector<1x128xf32>
      %add3A_78 = vector.broadcast %get3A_77 : vector<1x128xf32> to vector<64x128xf32>
      %add3A_79 = arith.addf %dot_general3A_74, %add3A_78 : vector<64x128xf32>
      %swap3A_80 = arith.constant 0 : index
      %swap3A_81 = arith.constant 0 : index
      %swap3A_82 = vector.load %arg11[%swap3A_80, %swap3A_81] : memref<64x128xf32, #tpu.memory_space<vmem>>, vector<64x128xf32>
      tpu.vector_store %arg11[%swap3A_80, %swap3A_81], %add3A_79 {strides = array<i32>} : memref<64x128xf32, #tpu.memory_space<vmem>>, vector<64x128xf32>,
    } else {
    }
    return
  }
  func.func @transform_0(%arg0: i32) -> (i32, i32, i32) {
    %c0_i32 = arith.constant 0 : i32
    %c0_i32_0 = arith.constant 0 : i32
    %c0_i32_1 = arith.constant 0 : i32
    return %c0_i32, %arg0, %c0_i32_0 : i32, i32, i32
  }
  func.func @transform_1(%arg0: i32) -> (i32, i32, i32) {
    %c1_i32 = arith.constant 1 : i32
    %c0_i32 = arith.constant 0 : i32
    %c0_i32_0 = arith.constant 0 : i32
    return %c1_i32, %arg0, %c0_i32 : i32, i32, i32
  }
  func.func @transform_2(%arg0: i32) -> (i32, i32) {
    %c0_i32 = arith.constant 0 : i32
    %c0_i32_0 = arith.constant 0 : i32
    return %arg0, %c0_i32 : i32, i32
  }
  func.func @transform_3(%arg0: i32) -> (i32, i32) {
    %c0_i32 = arith.constant 0 : i32
    %c0_i32_0 = arith.constant 0 : i32
    return %c0_i32, %arg0 : i32, i32
  }
  func.func @transform_4(%arg0: i32) -> (i32, i32) {
    %c0_i32 = arith.constant 0 : i32
    %c0_i32_0 = arith.constant 0 : i32
    %c0_i32_1 = arith.constant 0 : i32
    return %c0_i32, %c0_i32_0 : i32, i32
  }
  func.func @transform_5(%arg0: i32) -> (i32, i32, i32) {
    %c0_i32 = arith.constant 0 : i32
    %c0_i32_0 = arith.constant 0 : i32
    %c0_i32_1 = arith.constant 0 : i32
    return %arg0, %c0_i32, %c0_i32_0 : i32, i32, i32
  }
  func.func @transform_6(%arg0: i32) -> (i32, i32) {
    %c0_i32 = arith.constant 0 : i32
    %c0_i32_0 = arith.constant 0 : i32
    %c0_i32_1 = arith.constant 0 : i32
    return %c0_i32, %c0_i32_0 : i32, i32
  }
  func.func @transform_7(%arg0: i32) -> (i32, i32) {
    %c0_i32 = arith.constant 0 : i32
    %c0_i32_0 = arith.constant 0 : i32
    %c0_i32_1 = arith.constant 0 : i32
    return %c0_i32, %c0_i32_0 : i32, i32
  }
  func.func @transform_8(%arg0: i32) -> (i32, i32) {
    %c0_i32 = arith.constant 0 : i32
    %c0_i32_0 = arith.constant 0 : i32
    %c0_i32_1 = arith.constant 0 : i32
    return %c0_i32, %c0_i32_0 : i32, i32
  }
  func.func @transform_9(%arg0: i32) -> (i32, i32) {
    %c0_i32 = arith.constant 0 : i32
    %c0_i32_0 = arith.constant 0 : i32
    %c0_i32_1 = arith.constant 0 : i32
    return %c0_i32, %c0_i32_0 : i32, i32
  }
  func.func @transform_10(%arg0: i32) -> (i32, i32) {
    %c0_i32 = arith.constant 0 : i32
    %c0_i32_0 = arith.constant 0 : i32
    %c0_i32_1 = arith.constant 0 : i32
    return %c0_i32, %c0_i32_0 : i32, i32
  }
}

</mosaic_0001>

<sc_bundles>
// kernel: kernel.11.cloned.1.call-start
scs
__scs_entry_jumppad:
0x0: {  	(pc) =	sbr.rel $0x88, $3  }
0x1: {  	(tag) =	ssettag $0x0;
	lr =	simm.s32 $0x1  }
0x2: {  	[smem:$0x3F96] =	sst lr;
	_ =	strace $0xD0000000  }
0x3: {  	_ = 	snop  }
0x4: {  	_ = 	snop  }
0x5: {  	_ = 	snop  }
0x6: {  	_ = 	snop  }
0x7: {  	_ = 	snop  }
__scs_overlays_trampoline_lowered:
0x8: {  	[smem:$0x3FA5] =	sst s0  }
0x9: {  	[smem:$0x3FA6] =	sst s1  }
0xa: {  	[smem:$0x3FA7] =	sst s2  }
0xb: {  	[smem:$0x3FA8] =	sst s3  }
0xc: {  	[smem:$0x3FA9] =	sst s4  }
0xd: {  	[smem:$0x3FAA] =	sst s5  }
0xe: {  	[smem:$0x3FAB] =	sst s6  }
0xf: {  	[smem:$0x3FAC] =	sst s7  }
0x10: {  	[smem:$0x3FAD] =	sst s8  }
0x11: {  	[smem:$0x3FAE] =	sst s9;
	s0 =	simm.s32 @!p0 $0x0  }
0x12: {  	s1 =	sld [smem:$0x3F94];
	s0 =	simm.s32 @p0 $0x1  }
0x13: {  	[smem:$0x3FAF] =	sst s0;
	s0 =	simm.s32 @!p1 $0x0  }
0x14: {  	s2 =	sld [smem:$0x3F93];
	s0 =	simm.s32 @p1 $0x1  }
0x15: {  	[smem:$0x3FB0] =	sst s0;
	s0 =	simm.s32 @!p2 $0x0  }
0x16: {  	s3 =	sld [smem:$0x3FDB];
	s0 =	simm.s32 @p2 $0x1  }
0x17: {  	s4 =	simm.s32 $0x1BF5;
	[smem:$0x3FB2] =	sst s0  }
0x18: {  	s0 =	sld [smem:$0x3F95];
	_ =	swait.ge [sflag:s4], $0x0  }
0x19: {  	s7 =	sld [smem:$0x3F96]  }
0x1a: {  	s8 =	sadd.s32 $0xFFFFE003, lr  }
0x1b: {  	s9 =	sadd.s32 $0xFFFFFEF7, lr;
	s5 =	simm.s32 $0xFFFFFFFF;
	p2 =	slt.u32 s8, $0xFFFFF086  }
0x1c: {  	p1 =	slt.u32 s9, $0xF7A;
	s5 =	simm.s32 @!p2 $0x0  }
0x1d: {  	s5 =	simm.s32 @p1 $0x1;
	p0 =	seq.s32 s7, s2  }
0x1e: {  	s7 =	smul.u32 @!p0 $0xF7A, s2;
	p2 =	seq.s32 @!p0 s5, $0x0  }
0x1f: {  	s9 =	smul.u32 $0xF7A, s1;
	s8 =	simm.s32 @!p0 $0x1BF5;
	p2 =	por !p2, p0  }
0x20: {  	[sflag:s8] =	ssyncset.s32 @!p0 $0xFFFFF086;
	s6 =	sadd.s32 @!p0 s3, s7;
	s7 =	simm.s32 @!p0 $0x108  }
0x21: {  	s3 =	sadd.s32 s3, s9;
	s6 =	sadd.s32 @!p0 $0x88, s6;
	s7 =	simm.s32 @p2 $0x1082  }
0x22: {  	[simem:s7], [sflag:s8] =	dma.local @!p0 [hbm:s6], $0xF7A  }
0x23: {  	s9 =	sor.u32 $0xD0000000, s2;
	s6 =	simm.s32 $0x108;
	_ =	swait.ge @!p0 [sflag:s8], $0x0  }
0x24: {  	s3 =	sadd.s32 $0x88, s3;
	s6 =	simm.s32 @!p1 $0x1082;
	[sflag:s4] =	ssyncset.s32 $0xFFFFF086  }
0x25: {  	[simem:s6], [sflag:s4] =	dma.local [hbm:s3], $0xF7A  }
0x26: {  	[smem:$0x3F96] =	sst s1;
	(tag) =	ssettag s2;
	_ =	strace s9  }
0x27: {  	s1 =	sld [smem:$0x3FA6]  }
0x28: {  	s2 =	sld [smem:$0x3FA7]  }
0x29: {  	s4 =	sld [smem:$0x3FA9]  }
0x2a: {  	p0 =	seq.s32 s5, $0x0;
	s5 =	sld [smem:$0x3FAA]  }
0x2b: {  	s6 =	sld [smem:$0x3FAB]  }
0x2c: {  	s7 =	sld [smem:$0x3FAC]  }
0x2d: {  	s3 =	simm.s32 $0x108;
	s8 =	sld [smem:$0x3FAD]  }
0x2e: {  	s3 =	simm.s32 @!p0 $0x1082;
	s9 =	sld [smem:$0x3FAE]  }
0x2f: {  	lr =	sadd.s32 s0, s3;
	s0 =	sld [smem:$0x3FA5]  }
0x30: {  	s3 =	sld [smem:$0x3FA8]  }
0x31: {  	[smem:$0x3FB1] =	sst s10  }
0x32: {  	s10 =	sld [smem:$0x3FAF];
	_ =	sdelay $0x3  }
0x33: {  	p0 =	seq.s32 s10, $0x1;
	s10 =	sld [smem:$0x3FB1];
	_ =	sdelay $0x3  }
0x34: {  	[smem:$0x3FB1] =	sst s10  }
0x35: {  	s10 =	sld [smem:$0x3FB0];
	_ =	sdelay $0x3  }
0x36: {  	p1 =	seq.s32 s10, $0x1;
	s10 =	sld [smem:$0x3FB1];
	_ =	sdelay $0x3  }
0x37: {  	[smem:$0x3FB1] =	sst s10  }
0x38: {  	s10 =	sld [smem:$0x3FB2]  }
0x39: {  	_ = 	snop;
	(pc) =	sbr.ind lr, $3  }
0x3a: {  	_ = 	snop  }
0x3b: {  	_ = 	snop  }
0x3c: {  	p2 =	seq.s32 s10, $0x1;
	s10 =	sld [smem:$0x3FB1]  }
0x3d: {  	_ =	shalt  }
0x3e: {  	_ =	shalt  }
0x3f: {  	_ =	shalt  }
0x40: {  	_ =	shalt  }
0x41: {  	_ =	shalt  }
0x42: {  	_ =	shalt  }
0x43: {  	_ =	shalt  }
0x44: {  	_ =	shalt  }
0x45: {  	_ =	shalt  }
0x46: {  	_ =	shalt  }
0x47: {  	_ =	shalt  }
0x48: {  	_ =	shalt  }
0x49: {  	_ =	shalt  }
0x4a: {  	_ =	shalt  }
0x4b: {  	_ =	shalt  }
0x4c: {  	_ =	shalt  }
0x4d: {  	_ =	shalt  }
0x4e: {  	_ =	shalt  }
0x4f: {  	_ =	shalt  }
0x50: {  	_ =	shalt  }
0x51: {  	_ =	shalt  }
0x52: {  	_ =	shalt  }
0x53: {  	_ =	shalt  }
0x54: {  	_ =	shalt  }
0x55: {  	_ =	shalt  }
0x56: {  	_ =	shalt  }
0x57: {  	_ =	shalt  }
0x58: {  	_ =	shalt  }
0x59: {  	_ =	shalt  }
0x5a: {  	_ =	shalt  }
0x5b: {  	_ =	shalt  }
0x5c: {  	_ =	shalt  }
0x5d: {  	_ =	shalt  }
0x5e: {  	_ =	shalt  }
0x5f: {  	_ =	shalt  }
0x60: {  	_ =	shalt  }
0x61: {  	_ =	shalt  }
0x62: {  	_ =	shalt  }
0x63: {  	_ =	shalt  }
0x64: {  	_ =	shalt  }
0x65: {  	_ =	shalt  }
0x66: {  	_ =	shalt  }
0x67: {  	_ =	shalt  }
0x68: {  	_ =	shalt  }
0x69: {  	_ =	shalt  }
0x6a: {  	_ =	shalt  }
0x6b: {  	_ =	shalt  }
0x6c: {  	_ =	shalt  }
0x6d: {  	_ =	shalt  }
0x6e: {  	_ =	shalt  }
0x6f: {  	_ =	shalt  }
0x70: {  	_ =	shalt  }
0x71: {  	_ =	shalt  }
0x72: {  	_ =	shalt  }
0x73: {  	_ =	shalt  }
0x74: {  	_ =	shalt  }
0x75: {  	_ =	shalt  }
0x76: {  	_ =	shalt  }
0x77: {  	_ =	shalt  }
0x78: {  	_ =	shalt  }
0x79: {  	_ =	shalt  }
0x7a: {  	_ =	shalt  }
0x7b: {  	_ =	shalt  }
0x7c: {  	_ =	shalt  }
0x7d: {  	_ =	shalt  }
0x7e: {  	_ =	shalt  }
0x7f: {  	_ =	shalt  }
0x80: {  	_ =	shalt  }
0x81: {  	_ =	shalt  }
0x82: {  	_ =	shalt  }
0x83: {  	_ =	shalt  }
0x84: {  	_ =	shalt  }
0x85: {  	_ =	shalt  }
0x86: {  	_ =	shalt  }
0x87: {  	_ =	shalt  }
.Lfunc_end0:
.L_simem_size_0:
called_computation.1_lowered:
.L_overlay_start_0:
0x88: {  	s2 =	sld [smem:$0x3FD9]  }
0x89: {  	s3 =	sld [smem:$0x3FFE];
	_ =	sdelay $0x1  }
0x8a: {  	s1 =	srdreg.scid  }
0x8b: {  	s0 =	sand.u32 $0x1, s1  }
0x8c: {  	s16 =	sshll.u32 s0, $0xA;
	s2 =	sadd.s32 s3, s2  }
0x8d: {  	s2 =	sadd.s32 s2, s16  }
0x8e: {  	[smem:$0x3FBD] =	sst s2  }
0x8f: {  	_ = 	snop  }
0x90: {  	(tm) =	ssettm $0x1  }
0x91: {  	s17 =	sld [smem:$0x3FFB];
	_ =	sdelay $0x3  }
0x92: {  	_ =	strace s17  }
0x93: {  	s2 =	sld [smem:$0x3FFC];
	_ =	sdelay $0x3  }
0x94: {  	_ =	strace s2  }
0x95: {  	s2 =	sld [smem:$0x3FFD];
	_ =	sdelay $0x3  }
0x96: {  	_ =	strace s2  }
0x97: {  	_ =	strace $0x8FFFFFFF  }
0x98: {  	s18 =	sld [smem:$0x3FDB];
	_ =	sdelay $0x1  }
0x99: {  	s19 =	simm.s32 $_scs_section_size  }
0x9a: {  	s4 =	simm.s32 $_size__tile_overlayer_lowered;
	s5 =	simm.s32 $_tile_overlayer_lowered  }
0x9b: {  	s22 =	simm.s32 $0x1BFF;
	s21 =	sshll.u32 s5, $0x1;
	s2 =	sadd.s32 s19, s18  }
0x9c: {  	s6 =	simm.s32 $0x0;
	s20 =	sshll.u32 s4, $0x1;
	s4 =	sadd.s32 s21, s2  }
0x9d: {  	[timem:s6], [sflag:s22] =	dma.local [hbm:s4], s20  }
0x9e: {  	_ =	swait.ge [sflag:s22], s20  }
0x9f: {  	s3 =	ssub.s32 $0x0, s20;
	[sflag:s22] =	ssyncset.done $0x0  }
0xa0: {  	[sflag:s22] =	ssyncadd.s32 s3;
	_ =	sdelay $0x1  }
0xa1: {  	s23 =	simm.s32 $0x1B8B  }
0xa2: {  	_ =	swait.ge [sflag:s23], $0x1  }
0xa3: {  	[sflag:s23] =	ssyncset.done $0x0  }
0xa4: {  	s25 =	simm.s32 $0x1B8E;
	s24 =	sld [smem:$0x3FFE];
	[sflag:s23] =	ssyncadd.s32 $0xFFFFFFFF  }
0xa5: {  	s26 =	simm.s32 $execute0_lowered;
	[smem:$0x3FD2] =	sst s25  }
0xa6: {  	s4 =	sshll.u32 s26, $0x1;
	_ =	strace $0x80000049;
	[dreg:$0x1] =	wrdreg $0xFFFFFFFF  }
0xa7: {  	s28 =	simm.s32 $_size_execute0_lowered;
	s2 =	sadd.s32 s2, s4;
	[dreg:$0x0] =	wrdreg $0x0  }
0xa8: {  	s4 =	sshll.u32 s28, $0x1;
	[dreg:$0x2] =	wrdreg s2  }
0xa9: {  	[dreg:$0x3] =	wrdreg s4  }
0xaa: {  	[dreg:$0x4] =	wrdreg $0xC0  }
0xab: {  	_ =	task [dreg:s6], $0x5FFFF  }
0xac: {  	[dreg:$0x1] =	wrdreg $0xFFFFFFFF  }
0xad: {  	[dreg:$0x0] =	wrdreg $0x60  }
0xae: {  	[dreg:$0x2] =	wrdreg s24  }
0xaf: {  	[dreg:$0x3] =	wrdreg $0x90000  }
0xb0: {  	[dreg:$0x4] =	wrdreg $0x9  }
0xb1: {  	_ =	task.clear_ibuf [dreg:s6], $0x5FFFF;
	_ =	strace $0x90000049  }
0xb2: {  	s29 =	simm.s32 $0x9;
	_ =	strace $0x8000004B  }
0xb3: {  	_ =	swait.ge [sflag:s29], $0x1  }
0xb4: {  	[sflag:s29] =	ssyncadd.s32 $0xFFFFFFFF  }
0xb5: {  	_ =	strace $0x9000004B  }
0xb6: {  	_ =	sfence  }
0xb7: {  	s30 =	sld [smem:$0x0];
	_ =	sdelay $0x2  }
0xb8: {  	s31 =	sshll.u32 s1, $0xD;
	s1 =	sshrl.u32 s1, $0x2  }
0xb9: {  	s3 =	sand.u32 $0x4000, s31;
	s1 =	sadd.s32 s1, s30  }
0xba: {  	s0 =	sor.u32 s3, s0;
	s1 =	sshll.u32 s1, $0x11  }
0xbb: {  	s0 =	sor.u32 s1, s0  }
0xbc: {  	s0 =	sadd.s32 $0x8F2B, s0  }
0xbd: {  	[sflag:s0] =	ssyncadd.remote.s32 $0x1  }
0xbe: {  	_ =	sfence.sel $0xFFFF  }
0xbf: {  	[dreg:$0x0] =	wrdreg $0xFFFFFFFF;
	(pc) =	sbr.abs _section_cstart, $3  }
0xc0: {  	[dreg:$0x1] =	wrdreg $0xFFFFFFFF  }
0xc1: {  	_ =	task.clear_ibuf [dreg:s6], $0x2FFFF;
	_ =	strace $0x9FFFFFFF  }
0xc2: {  	(tm) =	ssettm $0x7FFFFFFF  }
0xc3: {  	_ =	shalt  }
tec
execute0_lowered:
.L_overlay_start_1:
0x0: {  	(tag) =	ssettag $0x1  }
0x1: {  	s5 =	rddreg [dreg:$0x0];
	s1 =	srdreg.scid  }
0x2: {  	s0 =	stileid.u32;
	s2 =	rddreg [dreg:$0x1];
	s3 =	simm.s32 $0x0  }
0x3: {  	s13 =	simm.s32 $0x2;
	s14 =	simm.s32 $0x2800;
	s15 =	simm.s32 $0x5000  }
0x4: {  	s16 =	simm.s32 $0x80;
	s17 =	simm.s32 $0x1;
	s21 =	simm.s32 $0x0  }
0x5: {  	s4 =	sand.u32 $0x1, s1;
	s1 =	rddreg [dreg:$0x2];
	s10 =	smul.u32 $0x50000, s0  }
0x6: {  	s6 =	sshll.u32 s0, $0x1;
	[smem:$0x7FF] =	sst s3;
	s19 =	smul.u32 $0x2800, s0  }
0x7: {  	s31 =	sshll.u32 s0, $0x6;
	s6 =	sor.u32 s4, s6;
	_ =	strace $0x8000004A  }
0x8: {  	s7 =	smul.u32 $0x28000, s4;
	s8 =	ssub.s32 $0x2, s4;
	s4 =	sadd.s32 $0x2A800, s5  }
0x9: {  	s6 =	smul.u32 $0x500, s6;
	s9 =	sshrl.u32 s8, $0x1;
	s30 =	sshrl.u32 s10, $0x2  }
0xa: {  	s11 =	sadd.s32 s7, s5;
	s8 =	ssub.s32 s8, s9;
	s7 =	sadd.s32 s30, s2  }
0xb: {  	s6 =	sadd.s32 s6, s5;
	s18 =	sadd.s32 $0x52800, s11;
	s8 =	smax.u32 s8, $0x1  }
0xc: {  	s9 =	sadd.s32 $0x4000, s7;
	s10 =	sadd.s32 $0x8000, s7;
	s11 =	sadd.s32 $0xC000, s7  }
0xd: {  	s12 =	sadd.s32 $0x10000, s7;
	s20 =	sshrl.u32 s7, $0x3;
	s5 =	sadd.s32 $0x20800, s6  }
0xe: {  	v0 =	vimm.f32 $0.0e+00;
	s6 =	sadd.s32 $0x16800, s6;
	s18 =	sadd.s32 s19, s18;
	s19 =	sor.u32 $0x1C02, s31  }
.LBB2_1:
0xf: {  	[tilespmem:s3], [sflag:$0x2] =	stream.linear.gather [hbm4b:s5+s3], $0x2780, $0x38;
	[tilespmem:$0x1D000] =	vst v63  }
0x10: {  	_ =	swait.ge [sflag:s13], $0x2780  }
0x11: {  	[sflag:s13] =	ssyncset.done $0x0  }
0x12: {  	[sflag:s13] =	ssyncadd.s32 $0xFFFFD880  }
0x13: {  	[tilespmem:s14], [sflag:$0x2] =	stream.linear.gather [hbm4b:s6+s3], $0x2780, $0x38;
	[tilespmem:$0x1D000] =	vst v63  }
0x14: {  	_ =	swait.ge [sflag:s13], $0x2780  }
0x15: {  	[sflag:s13] =	ssyncset.done $0x0  }
0x16: {  	s22 =	simm.s32 $0x0;
	s23 =	simm.s32 $0x200;
	[sflag:s13] =	ssyncadd.s32 $0xFFFFD880  }
.LBB2_2:
0x17: {  	p0 =	sne.s32 s23, $0xFE00;
	[tilespmem:s22+$0x5070] =	vst v0  }
0x18: {  	[tilespmem:s22+$0x5000] =	vst v0  }
0x19: {  	[tilespmem:s22+$0x5010] =	vst v0  }
.Ltmp0:
0x1a: {  	[tilespmem:s22+$0x5020] =	vst v0;
	(pc) =	sbr.rel @p0 .LBB2_2-.Ltmp0, $4  }
0x1b: {  	[tilespmem:s22+$0x5030] =	vst v0  }
0x1c: {  	[tilespmem:s22+$0x5040] =	vst v0  }
0x1d: {  	[tilespmem:s22+$0x5050] =	vst v0  }
0x1e: {  	[tilespmem:s22+$0x5060] =	vst v0;
	s22 =	sshra.s32 s23, $0x2;
	s23 =	sadd.s32 $0x200, s23  }
0x1f: {  	[tilespmem:s22+$0x5070] =	vst v0  }
0x20: {  	[tilespmem:s22+$0x5000] =	vst v0  }
0x21: {  	[tilespmem:s22+$0x5010] =	vst v0  }
0x22: {  	[tilespmem:s22+$0x5020] =	vst v0  }
0x23: {  	[tilespmem:s22+$0x5030] =	vst v0  }
0x24: {  	[tilespmem:s22+$0x5040] =	vst v0  }
0x25: {  	[tilespmem:s22+$0x5050] =	vst v0  }
0x26: {  	[tilespmem:s22+$0x5060] =	vst v0  }
0x27: {  	[spmem:s7] =	stream.linear.scatter [tilespmem:s15], [sflag:$0x2], $0x4000, $0x38;
	[tilespmem:$0x1D000] =	vst v63  }
0x28: {  	_ =	swait.ge [sflag:s13], $0x4000  }
0x29: {  	[sflag:s13] =	ssyncset.done $0x0  }
0x2a: {  	[sflag:s13] =	ssyncadd.s32 $0xFFFFC000  }
0x2b: {  	[spmem:s9] =	stream.linear.scatter [tilespmem:s15], [sflag:$0x2], $0x4000, $0x38;
	[tilespmem:$0x1D000] =	vst v63  }
0x2c: {  	_ =	swait.ge [sflag:s13], $0x4000  }
0x2d: {  	[sflag:s13] =	ssyncset.done $0x0  }
0x2e: {  	[sflag:s13] =	ssyncadd.s32 $0xFFFFC000  }
0x2f: {  	[spmem:s10] =	stream.linear.scatter [tilespmem:s15], [sflag:$0x2], $0x4000, $0x38;
	[tilespmem:$0x1D000] =	vst v63  }
0x30: {  	_ =	swait.ge [sflag:s13], $0x4000  }
0x31: {  	[sflag:s13] =	ssyncset.done $0x0  }
0x32: {  	[sflag:s13] =	ssyncadd.s32 $0xFFFFC000  }
0x33: {  	[spmem:s11] =	stream.linear.scatter [tilespmem:s15], [sflag:$0x2], $0x4000, $0x38;
	[tilespmem:$0x1D000] =	vst v63  }
0x34: {  	_ =	swait.ge [sflag:s13], $0x4000  }
0x35: {  	[sflag:s13] =	ssyncset.done $0x0  }
0x36: {  	[sflag:s13] =	ssyncadd.s32 $0xFFFFC000  }
0x37: {  	[spmem:s12] =	stream.linear.scatter [tilespmem:s15], [sflag:$0x2], $0x4000, $0x38;
	[tilespmem:$0x1D000] =	vst v63  }
0x38: {  	_ =	swait.ge [sflag:s13], $0x4000  }
0x39: {  	[sflag:s13] =	ssyncset.done $0x0  }
0x3a: {  	[sflag:s13] =	ssyncadd.s32 $0xFFFFC000  }
0x3b: {  	s30 =	simm.s32 $0x0;
	[bflag:$0x0] =	sbarrier.arrive $0xFFFF  }
0x3c: {  	[tilespmem:s15], [sflag:$0x1] =	stream.indirect.gather [hbm4b:s4+s16], $0x80, s30, s16, $0xb8;
	[tilespmem:$0x1D000] =	vst v63  }
0x3d: {  	_ =	swait.ge [sflag:s17], $0x4000  }
0x3e: {  	[sflag:s17] =	ssyncset.done $0x0  }
0x3f: {  	s31 =	simm.s32 $0x2800;
	[sflag:s17] =	ssyncadd.s32 $0xFFFFC000  }
0x40: {  	[spmem:s2] =	stream.indirect.scatter.add.f32 [tilespmem:s15], [sflag:$0x2], $0x80, s31, s16, $0xb8;
	[tilespmem:$0x1D000] =	vst v63  }
0x41: {  	_ =	swait.ge [sflag:s13], $0x4000  }
0x42: {  	s22 =	simm.s32 $0x200;
	s23 =	simm.s32 $0x400;
	[sflag:s13] =	ssyncset.done $0x0  }
.LBB2_4:
0x43: {  	s24 =	sshra.s32 s22, $0x2  }
0x44: {  	[sflag:s13] =	ssyncadd.s32 $0xFFFFC000;
	s22 =	smov.u32 s23;
	s25 =	sadd.s32 $0x200, s23  }
0x45: {  	[tilespmem:s15], [sflag:$0x1] =	stream.indirect.gather [hbm4b:s4+s16], $0x80, s24, s16, $0xb8;
	[tilespmem:$0x1D000] =	vst v63  }
0x46: {  	p0 =	sne.s32 s23, $0x9C00;
	_ =	swait.ge [sflag:s17], $0x4000  }
.Ltmp1:
0x47: {  	[sflag:s17] =	ssyncset.done $0x0;
	(pc) =	sbr.rel @p0 .LBB2_4-.Ltmp1, $4  }
0x48: {  	s23 =	sadd.s32 $0x2800, s24;
	[sflag:s17] =	ssyncadd.s32 $0xFFFFC000  }
0x49: {  	[spmem:s2] =	stream.indirect.scatter.add.f32 [tilespmem:s15], [sflag:$0x2], $0x80, s23, s16, $0xb8;
	[tilespmem:$0x1D000] =	vst v63  }
0x4a: {  	_ =	swait.ge [sflag:s13], $0x4000  }
0x4b: {  	s23 =	smov.u32 s25;
	[sflag:s13] =	ssyncset.done $0x0  }
0x4c: {  	s22 =	sshra.s32 s22, $0x2;
	[sflag:s13] =	ssyncadd.s32 $0xFFFFC000  }
0x4d: {  	[tilespmem:s15], [sflag:$0x1] =	stream.indirect.gather [hbm4b:s4+s16], $0x80, s22, s16, $0xb8;
	[tilespmem:$0x1D000] =	vst v63  }
0x4e: {  	_ =	swait.ge [sflag:s17], $0x4000  }
0x4f: {  	[sflag:s17] =	ssyncset.done $0x0  }
0x50: {  	s22 =	sadd.s32 $0x2800, s22;
	[sflag:s17] =	ssyncadd.s32 $0xFFFFC000  }
0x51: {  	[spmem:s2] =	stream.indirect.scatter.add.f32 [tilespmem:s15], [sflag:$0x2], $0x80, s22, s16, $0xb8;
	[tilespmem:$0x1D000] =	vst v63  }
0x52: {  	_ =	swait.ge [sflag:s13], $0x4000  }
0x53: {  	s21 =	sadd.s32 $0x1, s21;
	[sflag:s13] =	ssyncset.done $0x0  }
0x54: {  	p0 =	sne.s32 s21, s8;
	[sflag:s13] =	ssyncadd.s32 $0xFFFFC000  }
.Ltmp2:
0x55: {  	[bflag:$0x0] =	sbarrier.arrive $0xFFFF;
	(pc) =	sbr.rel @p0 .LBB2_1-.Ltmp2, $4  }
0x56: {  	[hbm:s18], [sflag:s19] =	dma.local [spmem:s20], $0x2800  }
0x57: {  	_ =	swait.ge [sflag:s13], $0x2800  }
0x58: {  	[sflag:s13] =	ssyncset.done $0x0  }
0x59: {  	[sflag:s13] =	ssyncadd.s32 $0xFFFFD800  }
0x5a: {  	_ =	sfence.sel $0x180000  }
0x5b: {  	[bflag:$0x0] =	sbarrier.arrive $0xFFFF  }
0x5c: {  	p0 =	sne.s32 s0, $0x0;
	_ =	strace $0x9000004A  }
0x5d: {  	s0 =	sadd.s32 @!p0 $0x100000, s1;
	[bflag:$0x2] =	sbarrier.arrive $0xFFFF  }
0x5e: {  	[sflag:s0] =	ssyncadd.tile.s32 @!p0 $0x1;
	_ =	shalt  }
.Lfunc_end2:
_tile_overlayer_lowered:
.L_overlay_start_2:
0x5f: {  	(tag) =	ssettag $0x2  }
0x60: {  	s0 =	rddreg [dreg:$0x0];
	s2 =	stileid.u32  }
0x61: {  	s1 =	rddreg [dreg:$0x1];
	p0 =	sne.s32 s2, $0x0  }
0x62: {  	s3 =	rddreg [dreg:$0x2];
	[bflag:$0x3] =	sbarrier.arrive $0xFFFF;
	s2 =	simm.s32 @!p0 $0x1C02  }
0x63: {  	[timem:s3], [sflag:s2] =	dma.local @!p0 [hbm:s0], s1  }
0x64: {  	s0 =	simm.s32 @!p0 $0x2  }
0x65: {  	_ =	swait.ge @!p0 [sflag:s0], s1  }
0x66: {  	s1 =	ssub.s32 @!p0 $0x0, s1;
	[sflag:s0] =	ssyncset.done @!p0 $0x0  }
0x67: {  	[sflag:s0] =	ssyncadd.s32 @!p0 s1  }
0x68: {  	[bflag:$0x3] =	sbarrier.arrive $0xFFFF  }
0x69: {  	_ =	shalt  }

// kernel: kernel.14.cloned.1.call-start
scs
__scs_entry_jumppad:
0x0: {  	(pc) =	sbr.rel $0x88, $3  }
0x1: {  	(tag) =	ssettag $0x0;
	lr =	simm.s32 $0x1  }
0x2: {  	[smem:$0x3F96] =	sst lr;
	_ =	strace $0xD0000000  }
0x3: {  	_ = 	snop  }
0x4: {  	_ = 	snop  }
0x5: {  	_ = 	snop  }
0x6: {  	_ = 	snop  }
0x7: {  	_ = 	snop  }
__scs_overlays_trampoline_lowered:
0x8: {  	[smem:$0x3FA5] =	sst s0  }
0x9: {  	[smem:$0x3FA6] =	sst s1  }
0xa: {  	[smem:$0x3FA7] =	sst s2  }
0xb: {  	[smem:$0x3FA8] =	sst s3  }
0xc: {  	[smem:$0x3FA9] =	sst s4  }
0xd: {  	[smem:$0x3FAA] =	sst s5  }
0xe: {  	[smem:$0x3FAB] =	sst s6  }
0xf: {  	[smem:$0x3FAC] =	sst s7  }
0x10: {  	[smem:$0x3FAD] =	sst s8  }
0x11: {  	[smem:$0x3FAE] =	sst s9;
	s0 =	simm.s32 @!p0 $0x0  }
0x12: {  	s1 =	sld [smem:$0x3F94];
	s0 =	simm.s32 @p0 $0x1  }
0x13: {  	[smem:$0x3FAF] =	sst s0;
	s0 =	simm.s32 @!p1 $0x0  }
0x14: {  	s2 =	sld [smem:$0x3F93];
	s0 =	simm.s32 @p1 $0x1  }
0x15: {  	[smem:$0x3FB0] =	sst s0;
	s0 =	simm.s32 @!p2 $0x0  }
0x16: {  	s3 =	sld [smem:$0x3FDB];
	s0 =	simm.s32 @p2 $0x1  }
0x17: {  	s4 =	simm.s32 $0x1BF5;
	[smem:$0x3FB2] =	sst s0  }
0x18: {  	s0 =	sld [smem:$0x3F95];
	_ =	swait.ge [sflag:s4], $0x0  }
0x19: {  	s7 =	sld [smem:$0x3F96]  }
0x1a: {  	s8 =	sadd.s32 $0xFFFFE003, lr  }
0x1b: {  	s9 =	sadd.s32 $0xFFFFFEF7, lr;
	s5 =	simm.s32 $0xFFFFFFFF;
	p2 =	slt.u32 s8, $0xFFFFF086  }
0x1c: {  	p1 =	slt.u32 s9, $0xF7A;
	s5 =	simm.s32 @!p2 $0x0  }
0x1d: {  	s5 =	simm.s32 @p1 $0x1;
	p0 =	seq.s32 s7, s2  }
0x1e: {  	s7 =	smul.u32 @!p0 $0xF7A, s2;
	p2 =	seq.s32 @!p0 s5, $0x0  }
0x1f: {  	s9 =	smul.u32 $0xF7A, s1;
	s8 =	simm.s32 @!p0 $0x1BF5;
	p2 =	por !p2, p0  }
0x20: {  	[sflag:s8] =	ssyncset.s32 @!p0 $0xFFFFF086;
	s6 =	sadd.s32 @!p0 s3, s7;
	s7 =	simm.s32 @!p0 $0x108  }
0x21: {  	s3 =	sadd.s32 s3, s9;
	s6 =	sadd.s32 @!p0 $0x88, s6;
	s7 =	simm.s32 @p2 $0x1082  }
0x22: {  	[simem:s7], [sflag:s8] =	dma.local @!p0 [hbm:s6], $0xF7A  }
0x23: {  	s9 =	sor.u32 $0xD0000000, s2;
	s6 =	simm.s32 $0x108;
	_ =	swait.ge @!p0 [sflag:s8], $0x0  }
0x24: {  	s3 =	sadd.s32 $0x88, s3;
	s6 =	simm.s32 @!p1 $0x1082;
	[sflag:s4] =	ssyncset.s32 $0xFFFFF086  }
0x25: {  	[simem:s6], [sflag:s4] =	dma.local [hbm:s3], $0xF7A  }
0x26: {  	[smem:$0x3F96] =	sst s1;
	(tag) =	ssettag s2;
	_ =	strace s9  }
0x27: {  	s1 =	sld [smem:$0x3FA6]  }
0x28: {  	s2 =	sld [smem:$0x3FA7]  }
0x29: {  	s4 =	sld [smem:$0x3FA9]  }
0x2a: {  	p0 =	seq.s32 s5, $0x0;
	s5 =	sld [smem:$0x3FAA]  }
0x2b: {  	s6 =	sld [smem:$0x3FAB]  }
0x2c: {  	s7 =	sld [smem:$0x3FAC]  }
0x2d: {  	s3 =	simm.s32 $0x108;
	s8 =	sld [smem:$0x3FAD]  }
0x2e: {  	s3 =	simm.s32 @!p0 $0x1082;
	s9 =	sld [smem:$0x3FAE]  }
0x2f: {  	lr =	sadd.s32 s0, s3;
	s0 =	sld [smem:$0x3FA5]  }
0x30: {  	s3 =	sld [smem:$0x3FA8]  }
0x31: {  	[smem:$0x3FB1] =	sst s10  }
0x32: {  	s10 =	sld [smem:$0x3FAF];
	_ =	sdelay $0x3  }
0x33: {  	p0 =	seq.s32 s10, $0x1;
	s10 =	sld [smem:$0x3FB1];
	_ =	sdelay $0x3  }
0x34: {  	[smem:$0x3FB1] =	sst s10  }
0x35: {  	s10 =	sld [smem:$0x3FB0];
	_ =	sdelay $0x3  }
0x36: {  	p1 =	seq.s32 s10, $0x1;
	s10 =	sld [smem:$0x3FB1];
	_ =	sdelay $0x3  }
0x37: {  	[smem:$0x3FB1] =	sst s10  }
0x38: {  	s10 =	sld [smem:$0x3FB2]  }
0x39: {  	_ = 	snop;
	(pc) =	sbr.ind lr, $3  }
0x3a: {  	_ = 	snop  }
0x3b: {  	_ = 	snop  }
0x3c: {  	p2 =	seq.s32 s10, $0x1;
	s10 =	sld [smem:$0x3FB1]  }
0x3d: {  	_ =	shalt  }
0x3e: {  	_ =	shalt  }
0x3f: {  	_ =	shalt  }
0x40: {  	_ =	shalt  }
0x41: {  	_ =	shalt  }
0x42: {  	_ =	shalt  }
0x43: {  	_ =	shalt  }
0x44: {  	_ =	shalt  }
0x45: {  	_ =	shalt  }
0x46: {  	_ =	shalt  }
0x47: {  	_ =	shalt  }
0x48: {  	_ =	shalt  }
0x49: {  	_ =	shalt  }
0x4a: {  	_ =	shalt  }
0x4b: {  	_ =	shalt  }
0x4c: {  	_ =	shalt  }
0x4d: {  	_ =	shalt  }
0x4e: {  	_ =	shalt  }
0x4f: {  	_ =	shalt  }
0x50: {  	_ =	shalt  }
0x51: {  	_ =	shalt  }
0x52: {  	_ =	shalt  }
0x53: {  	_ =	shalt  }
0x54: {  	_ =	shalt  }
0x55: {  	_ =	shalt  }
0x56: {  	_ =	shalt  }
0x57: {  	_ =	shalt  }
0x58: {  	_ =	shalt  }
0x59: {  	_ =	shalt  }
0x5a: {  	_ =	shalt  }
0x5b: {  	_ =	shalt  }
0x5c: {  	_ =	shalt  }
0x5d: {  	_ =	shalt  }
0x5e: {  	_ =	shalt  }
0x5f: {  	_ =	shalt  }
0x60: {  	_ =	shalt  }
0x61: {  	_ =	shalt  }
0x62: {  	_ =	shalt  }
0x63: {  	_ =	shalt  }
0x64: {  	_ =	shalt  }
0x65: {  	_ =	shalt  }
0x66: {  	_ =	shalt  }
0x67: {  	_ =	shalt  }
0x68: {  	_ =	shalt  }
0x69: {  	_ =	shalt  }
0x6a: {  	_ =	shalt  }
0x6b: {  	_ =	shalt  }
0x6c: {  	_ =	shalt  }
0x6d: {  	_ =	shalt  }
0x6e: {  	_ =	shalt  }
0x6f: {  	_ =	shalt  }
0x70: {  	_ =	shalt  }
0x71: {  	_ =	shalt  }
0x72: {  	_ =	shalt  }
0x73: {  	_ =	shalt  }
0x74: {  	_ =	shalt  }
0x75: {  	_ =	shalt  }
0x76: {  	_ =	shalt  }
0x77: {  	_ =	shalt  }
0x78: {  	_ =	shalt  }
0x79: {  	_ =	shalt  }
0x7a: {  	_ =	shalt  }
0x7b: {  	_ =	shalt  }
0x7c: {  	_ =	shalt  }
0x7d: {  	_ =	shalt  }
0x7e: {  	_ =	shalt  }
0x7f: {  	_ =	shalt  }
0x80: {  	_ =	shalt  }
0x81: {  	_ =	shalt  }
0x82: {  	_ =	shalt  }
0x83: {  	_ =	shalt  }
0x84: {  	_ =	shalt  }
0x85: {  	_ =	shalt  }
0x86: {  	_ =	shalt  }
0x87: {  	_ =	shalt  }
.Lfunc_end0:
.L_simem_size_0:
called_computation.2_lowered:
.L_overlay_start_0:
0x88: {  	s2 =	sld [smem:$0x3FD9]  }
0x89: {  	s3 =	sld [smem:$0x3FFE];
	_ =	sdelay $0x1  }
0x8a: {  	s1 =	srdreg.scid  }
0x8b: {  	s0 =	sand.u32 $0x1, s1  }
0x8c: {  	s16 =	sshll.u32 s0, $0xA;
	s2 =	sadd.s32 s3, s2  }
0x8d: {  	s2 =	sadd.s32 s2, s16  }
0x8e: {  	[smem:$0x3FBD] =	sst s2  }
0x8f: {  	_ = 	snop  }
0x90: {  	(tm) =	ssettm $0x1  }
0x91: {  	s17 =	sld [smem:$0x3FFB];
	_ =	sdelay $0x3  }
0x92: {  	_ =	strace s17  }
0x93: {  	s2 =	sld [smem:$0x3FFC];
	_ =	sdelay $0x3  }
0x94: {  	_ =	strace s2  }
0x95: {  	s2 =	sld [smem:$0x3FFD];
	_ =	sdelay $0x3  }
0x96: {  	_ =	strace s2  }
0x97: {  	_ =	strace $0x8FFFFFFF  }
0x98: {  	s18 =	sld [smem:$0x3FDB];
	_ =	sdelay $0x1  }
0x99: {  	s19 =	simm.s32 $_scs_section_size  }
0x9a: {  	s4 =	simm.s32 $_size__tile_overlayer_lowered;
	s5 =	simm.s32 $_tile_overlayer_lowered  }
0x9b: {  	s22 =	simm.s32 $0x1BFF;
	s21 =	sshll.u32 s5, $0x1;
	s2 =	sadd.s32 s19, s18  }
0x9c: {  	s6 =	simm.s32 $0x0;
	s20 =	sshll.u32 s4, $0x1;
	s4 =	sadd.s32 s21, s2  }
0x9d: {  	[timem:s6], [sflag:s22] =	dma.local [hbm:s4], s20  }
0x9e: {  	_ =	swait.ge [sflag:s22], s20  }
0x9f: {  	s3 =	ssub.s32 $0x0, s20;
	[sflag:s22] =	ssyncset.done $0x0  }
0xa0: {  	[sflag:s22] =	ssyncadd.s32 s3;
	_ =	sdelay $0x1  }
0xa1: {  	s23 =	simm.s32 $0x1B8B  }
0xa2: {  	_ =	swait.ge [sflag:s23], $0x1  }
0xa3: {  	[sflag:s23] =	ssyncset.done $0x0  }
0xa4: {  	s25 =	simm.s32 $0x1B8E;
	s24 =	sld [smem:$0x3FFE];
	[sflag:s23] =	ssyncadd.s32 $0xFFFFFFFF  }
0xa5: {  	s26 =	simm.s32 $execute0_lowered;
	[smem:$0x3FD2] =	sst s25  }
0xa6: {  	s4 =	sshll.u32 s26, $0x1;
	_ =	strace $0x8000004C;
	[dreg:$0x1] =	wrdreg $0xFFFFFFFF  }
0xa7: {  	s28 =	simm.s32 $_size_execute0_lowered;
	s2 =	sadd.s32 s2, s4;
	[dreg:$0x0] =	wrdreg $0x0  }
0xa8: {  	s4 =	sshll.u32 s28, $0x1;
	[dreg:$0x2] =	wrdreg s2  }
0xa9: {  	[dreg:$0x3] =	wrdreg s4  }
0xaa: {  	[dreg:$0x4] =	wrdreg $0xC0  }
0xab: {  	_ =	task [dreg:s6], $0x5FFFF  }
0xac: {  	[dreg:$0x1] =	wrdreg $0xFFFFFFFF  }
0xad: {  	[dreg:$0x0] =	wrdreg $0x60  }
0xae: {  	[dreg:$0x2] =	wrdreg s24  }
0xaf: {  	[dreg:$0x3] =	wrdreg $0x90000  }
0xb0: {  	[dreg:$0x4] =	wrdreg $0x9  }
0xb1: {  	_ =	task.clear_ibuf [dreg:s6], $0x5FFFF;
	_ =	strace $0x9000004C  }
0xb2: {  	s29 =	simm.s32 $0x9;
	_ =	strace $0x8000004E  }
0xb3: {  	_ =	swait.ge [sflag:s29], $0x1  }
0xb4: {  	[sflag:s29] =	ssyncadd.s32 $0xFFFFFFFF  }
0xb5: {  	_ =	strace $0x9000004E  }
0xb6: {  	_ =	sfence  }
0xb7: {  	s30 =	sld [smem:$0x0];
	_ =	sdelay $0x2  }
0xb8: {  	s31 =	sshll.u32 s1, $0xD;
	s1 =	sshrl.u32 s1, $0x2  }
0xb9: {  	s3 =	sand.u32 $0x4000, s31;
	s1 =	sadd.s32 s1, s30  }
0xba: {  	s0 =	sor.u32 s3, s0;
	s1 =	sshll.u32 s1, $0x11  }
0xbb: {  	s0 =	sor.u32 s1, s0  }
0xbc: {  	s0 =	sadd.s32 $0x8F2B, s0  }
0xbd: {  	[sflag:s0] =	ssyncadd.remote.s32 $0x1  }
0xbe: {  	_ =	sfence.sel $0xFFFF  }
0xbf: {  	[dreg:$0x0] =	wrdreg $0xFFFFFFFF;
	(pc) =	sbr.abs _section_cstart, $3  }
0xc0: {  	[dreg:$0x1] =	wrdreg $0xFFFFFFFF  }
0xc1: {  	_ =	task.clear_ibuf [dreg:s6], $0x2FFFF;
	_ =	strace $0x9FFFFFFF  }
0xc2: {  	(tm) =	ssettm $0x7FFFFFFF  }
0xc3: {  	_ =	shalt  }
tec
execute0_lowered:
.L_overlay_start_1:
0x0: {  	(tag) =	ssettag $0x1  }
0x1: {  	s5 =	rddreg [dreg:$0x0];
	s1 =	srdreg.scid  }
0x2: {  	s0 =	stileid.u32;
	s2 =	rddreg [dreg:$0x1];
	s3 =	simm.s32 $0x0  }
0x3: {  	s13 =	simm.s32 $0x2;
	s14 =	simm.s32 $0x2800;
	s15 =	simm.s32 $0x5000  }
0x4: {  	s16 =	simm.s32 $0x80;
	s17 =	simm.s32 $0x1;
	s21 =	simm.s32 $0x0  }
0x5: {  	s4 =	sand.u32 $0x1, s1;
	s1 =	rddreg [dreg:$0x2];
	s10 =	smul.u32 $0x50000, s0  }
0x6: {  	s6 =	sshll.u32 s0, $0x1;
	[smem:$0x7FF] =	sst s3;
	s19 =	smul.u32 $0x2800, s0  }
0x7: {  	s31 =	sshll.u32 s0, $0x6;
	s6 =	sor.u32 s4, s6;
	_ =	strace $0x8000004D  }
0x8: {  	s7 =	smul.u32 $0x28000, s4;
	s8 =	ssub.s32 $0x2, s4;
	s4 =	sadd.s32 $0x2A800, s5  }
0x9: {  	s6 =	smul.u32 $0x500, s6;
	s9 =	sshrl.u32 s8, $0x1;
	s30 =	sshrl.u32 s10, $0x2  }
0xa: {  	s11 =	sadd.s32 s7, s5;
	s8 =	ssub.s32 s8, s9;
	s7 =	sadd.s32 s30, s2  }
0xb: {  	s6 =	sadd.s32 s6, s5;
	s18 =	sadd.s32 $0x52800, s11;
	s8 =	smax.u32 s8, $0x1  }
0xc: {  	s9 =	sadd.s32 $0x4000, s7;
	s10 =	sadd.s32 $0x8000, s7;
	s11 =	sadd.s32 $0xC000, s7  }
0xd: {  	s12 =	sadd.s32 $0x10000, s7;
	s20 =	sshrl.u32 s7, $0x3;
	s5 =	sadd.s32 $0x20800, s6  }
0xe: {  	v0 =	vimm.f32 $0.0e+00;
	s6 =	sadd.s32 $0x16800, s6;
	s18 =	sadd.s32 s19, s18;
	s19 =	sor.u32 $0x1C02, s31  }
.LBB2_1:
0xf: {  	[tilespmem:s3], [sflag:$0x2] =	stream.linear.gather [hbm4b:s5+s3], $0x2780, $0x38;
	[tilespmem:$0x1D000] =	vst v63  }
0x10: {  	_ =	swait.ge [sflag:s13], $0x2780  }
0x11: {  	[sflag:s13] =	ssyncset.done $0x0  }
0x12: {  	[sflag:s13] =	ssyncadd.s32 $0xFFFFD880  }
0x13: {  	[tilespmem:s14], [sflag:$0x2] =	stream.linear.gather [hbm4b:s6+s3], $0x2780, $0x38;
	[tilespmem:$0x1D000] =	vst v63  }
0x14: {  	_ =	swait.ge [sflag:s13], $0x2780  }
0x15: {  	[sflag:s13] =	ssyncset.done $0x0  }
0x16: {  	s22 =	simm.s32 $0x0;
	s23 =	simm.s32 $0x200;
	[sflag:s13] =	ssyncadd.s32 $0xFFFFD880  }
.LBB2_2:
0x17: {  	p0 =	sne.s32 s23, $0xFE00;
	[tilespmem:s22+$0x5070] =	vst v0  }
0x18: {  	[tilespmem:s22+$0x5000] =	vst v0  }
0x19: {  	[tilespmem:s22+$0x5010] =	vst v0  }
.Ltmp0:
0x1a: {  	[tilespmem:s22+$0x5020] =	vst v0;
	(pc) =	sbr.rel @p0 .LBB2_2-.Ltmp0, $4  }
0x1b: {  	[tilespmem:s22+$0x5030] =	vst v0  }
0x1c: {  	[tilespmem:s22+$0x5040] =	vst v0  }
0x1d: {  	[tilespmem:s22+$0x5050] =	vst v0  }
0x1e: {  	[tilespmem:s22+$0x5060] =	vst v0;
	s22 =	sshra.s32 s23, $0x2;
	s23 =	sadd.s32 $0x200, s23  }
0x1f: {  	[tilespmem:s22+$0x5070] =	vst v0  }
0x20: {  	[tilespmem:s22+$0x5000] =	vst v0  }
0x21: {  	[tilespmem:s22+$0x5010] =	vst v0  }
0x22: {  	[tilespmem:s22+$0x5020] =	vst v0  }
0x23: {  	[tilespmem:s22+$0x5030] =	vst v0  }
0x24: {  	[tilespmem:s22+$0x5040] =	vst v0  }
0x25: {  	[tilespmem:s22+$0x5050] =	vst v0  }
0x26: {  	[tilespmem:s22+$0x5060] =	vst v0  }
0x27: {  	[spmem:s7] =	stream.linear.scatter [tilespmem:s15], [sflag:$0x2], $0x4000, $0x38;
	[tilespmem:$0x1D000] =	vst v63  }
0x28: {  	_ =	swait.ge [sflag:s13], $0x4000  }
0x29: {  	[sflag:s13] =	ssyncset.done $0x0  }
0x2a: {  	[sflag:s13] =	ssyncadd.s32 $0xFFFFC000  }
0x2b: {  	[spmem:s9] =	stream.linear.scatter [tilespmem:s15], [sflag:$0x2], $0x4000, $0x38;
	[tilespmem:$0x1D000] =	vst v63  }
0x2c: {  	_ =	swait.ge [sflag:s13], $0x4000  }
0x2d: {  	[sflag:s13] =	ssyncset.done $0x0  }
0x2e: {  	[sflag:s13] =	ssyncadd.s32 $0xFFFFC000  }
0x2f: {  	[spmem:s10] =	stream.linear.scatter [tilespmem:s15], [sflag:$0x2], $0x4000, $0x38;
	[tilespmem:$0x1D000] =	vst v63  }
0x30: {  	_ =	swait.ge [sflag:s13], $0x4000  }
0x31: {  	[sflag:s13] =	ssyncset.done $0x0  }
0x32: {  	[sflag:s13] =	ssyncadd.s32 $0xFFFFC000  }
0x33: {  	[spmem:s11] =	stream.linear.scatter [tilespmem:s15], [sflag:$0x2], $0x4000, $0x38;
	[tilespmem:$0x1D000] =	vst v63  }
0x34: {  	_ =	swait.ge [sflag:s13], $0x4000  }
0x35: {  	[sflag:s13] =	ssyncset.done $0x0  }
0x36: {  	[sflag:s13] =	ssyncadd.s32 $0xFFFFC000  }
0x37: {  	[spmem:s12] =	stream.linear.scatter [tilespmem:s15], [sflag:$0x2], $0x4000, $0x38;
	[tilespmem:$0x1D000] =	vst v63  }
0x38: {  	_ =	swait.ge [sflag:s13], $0x4000  }
0x39: {  	[sflag:s13] =	ssyncset.done $0x0  }
0x3a: {  	[sflag:s13] =	ssyncadd.s32 $0xFFFFC000  }
0x3b: {  	s30 =	simm.s32 $0x0;
	[bflag:$0x0] =	sbarrier.arrive $0xFFFF  }
0x3c: {  	[tilespmem:s15], [sflag:$0x1] =	stream.indirect.gather [hbm4b:s4+s16], $0x80, s30, s16, $0xb8;
	[tilespmem:$0x1D000] =	vst v63  }
0x3d: {  	_ =	swait.ge [sflag:s17], $0x4000  }
0x3e: {  	[sflag:s17] =	ssyncset.done $0x0  }
0x3f: {  	s31 =	simm.s32 $0x2800;
	[sflag:s17] =	ssyncadd.s32 $0xFFFFC000  }
0x40: {  	[spmem:s2] =	stream.indirect.scatter.add.f32 [tilespmem:s15], [sflag:$0x2], $0x80, s31, s16, $0xb8;
	[tilespmem:$0x1D000] =	vst v63  }
0x41: {  	_ =	swait.ge [sflag:s13], $0x4000  }
0x42: {  	s22 =	simm.s32 $0x200;
	s23 =	simm.s32 $0x400;
	[sflag:s13] =	ssyncset.done $0x0  }
.LBB2_4:
0x43: {  	s24 =	sshra.s32 s22, $0x2  }
0x44: {  	[sflag:s13] =	ssyncadd.s32 $0xFFFFC000;
	s22 =	smov.u32 s23;
	s25 =	sadd.s32 $0x200, s23  }
0x45: {  	[tilespmem:s15], [sflag:$0x1] =	stream.indirect.gather [hbm4b:s4+s16], $0x80, s24, s16, $0xb8;
	[tilespmem:$0x1D000] =	vst v63  }
0x46: {  	p0 =	sne.s32 s23, $0x9C00;
	_ =	swait.ge [sflag:s17], $0x4000  }
.Ltmp1:
0x47: {  	[sflag:s17] =	ssyncset.done $0x0;
	(pc) =	sbr.rel @p0 .LBB2_4-.Ltmp1, $4  }
0x48: {  	s23 =	sadd.s32 $0x2800, s24;
	[sflag:s17] =	ssyncadd.s32 $0xFFFFC000  }
0x49: {  	[spmem:s2] =	stream.indirect.scatter.add.f32 [tilespmem:s15], [sflag:$0x2], $0x80, s23, s16, $0xb8;
	[tilespmem:$0x1D000] =	vst v63  }
0x4a: {  	_ =	swait.ge [sflag:s13], $0x4000  }
0x4b: {  	s23 =	smov.u32 s25;
	[sflag:s13] =	ssyncset.done $0x0  }
0x4c: {  	s22 =	sshra.s32 s22, $0x2;
	[sflag:s13] =	ssyncadd.s32 $0xFFFFC000  }
0x4d: {  	[tilespmem:s15], [sflag:$0x1] =	stream.indirect.gather [hbm4b:s4+s16], $0x80, s22, s16, $0xb8;
	[tilespmem:$0x1D000] =	vst v63  }
0x4e: {  	_ =	swait.ge [sflag:s17], $0x4000  }
0x4f: {  	[sflag:s17] =	ssyncset.done $0x0  }
0x50: {  	s22 =	sadd.s32 $0x2800, s22;
	[sflag:s17] =	ssyncadd.s32 $0xFFFFC000  }
0x51: {  	[spmem:s2] =	stream.indirect.scatter.add.f32 [tilespmem:s15], [sflag:$0x2], $0x80, s22, s16, $0xb8;
	[tilespmem:$0x1D000] =	vst v63  }
0x52: {  	_ =	swait.ge [sflag:s13], $0x4000  }
0x53: {  	s21 =	sadd.s32 $0x1, s21;
	[sflag:s13] =	ssyncset.done $0x0  }
0x54: {  	p0 =	sne.s32 s21, s8;
	[sflag:s13] =	ssyncadd.s32 $0xFFFFC000  }
.Ltmp2:
0x55: {  	[bflag:$0x0] =	sbarrier.arrive $0xFFFF;
	(pc) =	sbr.rel @p0 .LBB2_1-.Ltmp2, $4  }
0x56: {  	[hbm:s18], [sflag:s19] =	dma.local [spmem:s20], $0x2800  }
0x57: {  	_ =	swait.ge [sflag:s13], $0x2800  }
0x58: {  	[sflag:s13] =	ssyncset.done $0x0  }
0x59: {  	[sflag:s13] =	ssyncadd.s32 $0xFFFFD800  }
0x5a: {  	_ =	sfence.sel $0x180000  }
0x5b: {  	[bflag:$0x0] =	sbarrier.arrive $0xFFFF  }
0x5c: {  	p0 =	sne.s32 s0, $0x0;
	_ =	strace $0x9000004D  }
0x5d: {  	s0 =	sadd.s32 @!p0 $0x100000, s1;
	[bflag:$0x2] =	sbarrier.arrive $0xFFFF  }
0x5e: {  	[sflag:s0] =	ssyncadd.tile.s32 @!p0 $0x1;
	_ =	shalt  }
.Lfunc_end2:
_tile_overlayer_lowered:
.L_overlay_start_2:
0x5f: {  	(tag) =	ssettag $0x2  }
0x60: {  	s0 =	rddreg [dreg:$0x0];
	s2 =	stileid.u32  }
0x61: {  	s1 =	rddreg [dreg:$0x1];
	p0 =	sne.s32 s2, $0x0  }
0x62: {  	s3 =	rddreg [dreg:$0x2];
	[bflag:$0x3] =	sbarrier.arrive $0xFFFF;
	s2 =	simm.s32 @!p0 $0x1C02  }
0x63: {  	[timem:s3], [sflag:s2] =	dma.local @!p0 [hbm:s0], s1  }
0x64: {  	s0 =	simm.s32 @!p0 $0x2  }
0x65: {  	_ =	swait.ge @!p0 [sflag:s0], s1  }
0x66: {  	s1 =	ssub.s32 @!p0 $0x0, s1;
	[sflag:s0] =	ssyncset.done @!p0 $0x0  }
0x67: {  	[sflag:s0] =	ssyncadd.s32 @!p0 s1  }
0x68: {  	[bflag:$0x3] =	sbarrier.arrive $0xFFFF  }
0x69: {  	_ =	shalt  }

// kernel: kernel.8.cloned.1.call-start
scs
__scs_entry_jumppad:
0x0: {  	(pc) =	sbr.rel $0x88, $3  }
0x1: {  	(tag) =	ssettag $0x0;
	lr =	simm.s32 $0x1  }
0x2: {  	[smem:$0x3F96] =	sst lr;
	_ =	strace $0xD0000000  }
0x3: {  	_ = 	snop  }
0x4: {  	_ = 	snop  }
0x5: {  	_ = 	snop  }
0x6: {  	_ = 	snop  }
0x7: {  	_ = 	snop  }
__scs_overlays_trampoline_lowered:
0x8: {  	[smem:$0x3FA5] =	sst s0  }
0x9: {  	[smem:$0x3FA6] =	sst s1  }
0xa: {  	[smem:$0x3FA7] =	sst s2  }
0xb: {  	[smem:$0x3FA8] =	sst s3  }
0xc: {  	[smem:$0x3FA9] =	sst s4  }
0xd: {  	[smem:$0x3FAA] =	sst s5  }
0xe: {  	[smem:$0x3FAB] =	sst s6  }
0xf: {  	[smem:$0x3FAC] =	sst s7  }
0x10: {  	[smem:$0x3FAD] =	sst s8  }
0x11: {  	[smem:$0x3FAE] =	sst s9;
	s0 =	simm.s32 @!p0 $0x0  }
0x12: {  	s1 =	sld [smem:$0x3F94];
	s0 =	simm.s32 @p0 $0x1  }
0x13: {  	[smem:$0x3FAF] =	sst s0;
	s0 =	simm.s32 @!p1 $0x0  }
0x14: {  	s2 =	sld [smem:$0x3F93];
	s0 =	simm.s32 @p1 $0x1  }
0x15: {  	[smem:$0x3FB0] =	sst s0;
	s0 =	simm.s32 @!p2 $0x0  }
0x16: {  	s3 =	sld [smem:$0x3FDB];
	s0 =	simm.s32 @p2 $0x1  }
0x17: {  	s4 =	simm.s32 $0x1BF5;
	[smem:$0x3FB2] =	sst s0  }
0x18: {  	s0 =	sld [smem:$0x3F95];
	_ =	swait.ge [sflag:s4], $0x0  }
0x19: {  	s7 =	sld [smem:$0x3F96]  }
0x1a: {  	s8 =	sadd.s32 $0xFFFFE003, lr  }
0x1b: {  	s9 =	sadd.s32 $0xFFFFFEF7, lr;
	s5 =	simm.s32 $0xFFFFFFFF;
	p2 =	slt.u32 s8, $0xFFFFF086  }
0x1c: {  	p1 =	slt.u32 s9, $0xF7A;
	s5 =	simm.s32 @!p2 $0x0  }
0x1d: {  	s5 =	simm.s32 @p1 $0x1;
	p0 =	seq.s32 s7, s2  }
0x1e: {  	s7 =	smul.u32 @!p0 $0xF7A, s2;
	p2 =	seq.s32 @!p0 s5, $0x0  }
0x1f: {  	s9 =	smul.u32 $0xF7A, s1;
	s8 =	simm.s32 @!p0 $0x1BF5;
	p2 =	por !p2, p0  }
0x20: {  	[sflag:s8] =	ssyncset.s32 @!p0 $0xFFFFF086;
	s6 =	sadd.s32 @!p0 s3, s7;
	s7 =	simm.s32 @!p0 $0x108  }
0x21: {  	s3 =	sadd.s32 s3, s9;
	s6 =	sadd.s32 @!p0 $0x88, s6;
	s7 =	simm.s32 @p2 $0x1082  }
0x22: {  	[simem:s7], [sflag:s8] =	dma.local @!p0 [hbm:s6], $0xF7A  }
0x23: {  	s9 =	sor.u32 $0xD0000000, s2;
	s6 =	simm.s32 $0x108;
	_ =	swait.ge @!p0 [sflag:s8], $0x0  }
0x24: {  	s3 =	sadd.s32 $0x88, s3;
	s6 =	simm.s32 @!p1 $0x1082;
	[sflag:s4] =	ssyncset.s32 $0xFFFFF086  }
0x25: {  	[simem:s6], [sflag:s4] =	dma.local [hbm:s3], $0xF7A  }
0x26: {  	[smem:$0x3F96] =	sst s1;
	(tag) =	ssettag s2;
	_ =	strace s9  }
0x27: {  	s1 =	sld [smem:$0x3FA6]  }
0x28: {  	s2 =	sld [smem:$0x3FA7]  }
0x29: {  	s4 =	sld [smem:$0x3FA9]  }
0x2a: {  	p0 =	seq.s32 s5, $0x0;
	s5 =	sld [smem:$0x3FAA]  }
0x2b: {  	s6 =	sld [smem:$0x3FAB]  }
0x2c: {  	s7 =	sld [smem:$0x3FAC]  }
0x2d: {  	s3 =	simm.s32 $0x108;
	s8 =	sld [smem:$0x3FAD]  }
0x2e: {  	s3 =	simm.s32 @!p0 $0x1082;
	s9 =	sld [smem:$0x3FAE]  }
0x2f: {  	lr =	sadd.s32 s0, s3;
	s0 =	sld [smem:$0x3FA5]  }
0x30: {  	s3 =	sld [smem:$0x3FA8]  }
0x31: {  	[smem:$0x3FB1] =	sst s10  }
0x32: {  	s10 =	sld [smem:$0x3FAF];
	_ =	sdelay $0x3  }
0x33: {  	p0 =	seq.s32 s10, $0x1;
	s10 =	sld [smem:$0x3FB1];
	_ =	sdelay $0x3  }
0x34: {  	[smem:$0x3FB1] =	sst s10  }
0x35: {  	s10 =	sld [smem:$0x3FB0];
	_ =	sdelay $0x3  }
0x36: {  	p1 =	seq.s32 s10, $0x1;
	s10 =	sld [smem:$0x3FB1];
	_ =	sdelay $0x3  }
0x37: {  	[smem:$0x3FB1] =	sst s10  }
0x38: {  	s10 =	sld [smem:$0x3FB2]  }
0x39: {  	_ = 	snop;
	(pc) =	sbr.ind lr, $3  }
0x3a: {  	_ = 	snop  }
0x3b: {  	_ = 	snop  }
0x3c: {  	p2 =	seq.s32 s10, $0x1;
	s10 =	sld [smem:$0x3FB1]  }
0x3d: {  	_ =	shalt  }
0x3e: {  	_ =	shalt  }
0x3f: {  	_ =	shalt  }
0x40: {  	_ =	shalt  }
0x41: {  	_ =	shalt  }
0x42: {  	_ =	shalt  }
0x43: {  	_ =	shalt  }
0x44: {  	_ =	shalt  }
0x45: {  	_ =	shalt  }
0x46: {  	_ =	shalt  }
0x47: {  	_ =	shalt  }
0x48: {  	_ =	shalt  }
0x49: {  	_ =	shalt  }
0x4a: {  	_ =	shalt  }
0x4b: {  	_ =	shalt  }
0x4c: {  	_ =	shalt  }
0x4d: {  	_ =	shalt  }
0x4e: {  	_ =	shalt  }
0x4f: {  	_ =	shalt  }
0x50: {  	_ =	shalt  }
0x51: {  	_ =	shalt  }
0x52: {  	_ =	shalt  }
0x53: {  	_ =	shalt  }
0x54: {  	_ =	shalt  }
0x55: {  	_ =	shalt  }
0x56: {  	_ =	shalt  }
0x57: {  	_ =	shalt  }
0x58: {  	_ =	shalt  }
0x59: {  	_ =	shalt  }
0x5a: {  	_ =	shalt  }
0x5b: {  	_ =	shalt  }
0x5c: {  	_ =	shalt  }
0x5d: {  	_ =	shalt  }
0x5e: {  	_ =	shalt  }
0x5f: {  	_ =	shalt  }
0x60: {  	_ =	shalt  }
0x61: {  	_ =	shalt  }
0x62: {  	_ =	shalt  }
0x63: {  	_ =	shalt  }
0x64: {  	_ =	shalt  }
0x65: {  	_ =	shalt  }
0x66: {  	_ =	shalt  }
0x67: {  	_ =	shalt  }
0x68: {  	_ =	shalt  }
0x69: {  	_ =	shalt  }
0x6a: {  	_ =	shalt  }
0x6b: {  	_ =	shalt  }
0x6c: {  	_ =	shalt  }
0x6d: {  	_ =	shalt  }
0x6e: {  	_ =	shalt  }
0x6f: {  	_ =	shalt  }
0x70: {  	_ =	shalt  }
0x71: {  	_ =	shalt  }
0x72: {  	_ =	shalt  }
0x73: {  	_ =	shalt  }
0x74: {  	_ =	shalt  }
0x75: {  	_ =	shalt  }
0x76: {  	_ =	shalt  }
0x77: {  	_ =	shalt  }
0x78: {  	_ =	shalt  }
0x79: {  	_ =	shalt  }
0x7a: {  	_ =	shalt  }
0x7b: {  	_ =	shalt  }
0x7c: {  	_ =	shalt  }
0x7d: {  	_ =	shalt  }
0x7e: {  	_ =	shalt  }
0x7f: {  	_ =	shalt  }
0x80: {  	_ =	shalt  }
0x81: {  	_ =	shalt  }
0x82: {  	_ =	shalt  }
0x83: {  	_ =	shalt  }
0x84: {  	_ =	shalt  }
0x85: {  	_ =	shalt  }
0x86: {  	_ =	shalt  }
0x87: {  	_ =	shalt  }
.Lfunc_end0:
.L_simem_size_0:
called_computation_lowered:
.L_overlay_start_0:
0x88: {  	s2 =	sld [smem:$0x3FD9]  }
0x89: {  	s3 =	sld [smem:$0x3FFE];
	_ =	sdelay $0x1  }
0x8a: {  	s1 =	srdreg.scid  }
0x8b: {  	s0 =	sand.u32 $0x1, s1  }
0x8c: {  	s16 =	sshll.u32 s0, $0xA;
	s2 =	sadd.s32 s3, s2  }
0x8d: {  	s2 =	sadd.s32 s2, s16  }
0x8e: {  	[smem:$0x3FBD] =	sst s2  }
0x8f: {  	_ = 	snop  }
0x90: {  	(tm) =	ssettm $0x1  }
0x91: {  	s17 =	sld [smem:$0x3FFB];
	_ =	sdelay $0x3  }
0x92: {  	_ =	strace s17  }
0x93: {  	s2 =	sld [smem:$0x3FFC];
	_ =	sdelay $0x3  }
0x94: {  	_ =	strace s2  }
0x95: {  	s2 =	sld [smem:$0x3FFD];
	_ =	sdelay $0x3  }
0x96: {  	_ =	strace s2  }
0x97: {  	_ =	strace $0x8FFFFFFF  }
0x98: {  	s18 =	sld [smem:$0x3FDB];
	_ =	sdelay $0x1  }
0x99: {  	s19 =	simm.s32 $_scs_section_size  }
0x9a: {  	s4 =	simm.s32 $_size__tile_overlayer_lowered;
	s5 =	simm.s32 $_tile_overlayer_lowered  }
0x9b: {  	s22 =	simm.s32 $0x1BFF;
	s21 =	sshll.u32 s5, $0x1;
	s2 =	sadd.s32 s19, s18  }
0x9c: {  	s6 =	simm.s32 $0x0;
	s20 =	sshll.u32 s4, $0x1;
	s4 =	sadd.s32 s21, s2  }
0x9d: {  	[timem:s6], [sflag:s22] =	dma.local [hbm:s4], s20  }
0x9e: {  	_ =	swait.ge [sflag:s22], s20  }
0x9f: {  	s3 =	ssub.s32 $0x0, s20;
	[sflag:s22] =	ssyncset.done $0x0  }
0xa0: {  	[sflag:s22] =	ssyncadd.s32 s3;
	_ =	sdelay $0x1  }
0xa1: {  	s23 =	simm.s32 $0x1B8B  }
0xa2: {  	_ =	swait.ge [sflag:s23], $0x1  }
0xa3: {  	[sflag:s23] =	ssyncset.done $0x0  }
0xa4: {  	s25 =	simm.s32 $0x1B8E;
	s24 =	sld [smem:$0x3FFE];
	[sflag:s23] =	ssyncadd.s32 $0xFFFFFFFF  }
0xa5: {  	s26 =	simm.s32 $execute0_lowered;
	[smem:$0x3FD2] =	sst s25  }
0xa6: {  	s4 =	sshll.u32 s26, $0x1;
	_ =	strace $0x80000046;
	[dreg:$0x1] =	wrdreg $0xFFFFFFFF  }
0xa7: {  	s28 =	simm.s32 $_size_execute0_lowered;
	s2 =	sadd.s32 s2, s4;
	[dreg:$0x0] =	wrdreg $0x0  }
0xa8: {  	s4 =	sshll.u32 s28, $0x1;
	[dreg:$0x2] =	wrdreg s2  }
0xa9: {  	[dreg:$0x3] =	wrdreg s4  }
0xaa: {  	[dreg:$0x4] =	wrdreg $0xC0  }
0xab: {  	_ =	task [dreg:s6], $0x5FFFF  }
0xac: {  	[dreg:$0x1] =	wrdreg $0xFFFFFFFF  }
0xad: {  	[dreg:$0x0] =	wrdreg $0x60  }
0xae: {  	[dreg:$0x2] =	wrdreg s24  }
0xaf: {  	[dreg:$0x3] =	wrdreg $0x9  }
0xb0: {  	_ =	task.clear_ibuf [dreg:s6], $0x4FFFF;
	_ =	strace $0x90000046  }
0xb1: {  	s29 =	simm.s32 $0x9;
	_ =	strace $0x80000048  }
0xb2: {  	_ =	swait.ge [sflag:s29], $0x1  }
0xb3: {  	[sflag:s29] =	ssyncadd.s32 $0xFFFFFFFF  }
0xb4: {  	_ =	strace $0x90000048  }
0xb5: {  	_ =	sfence  }
0xb6: {  	s30 =	sld [smem:$0x0];
	_ =	sdelay $0x2  }
0xb7: {  	s31 =	sshll.u32 s1, $0xD;
	s1 =	sshrl.u32 s1, $0x2  }
0xb8: {  	s3 =	sand.u32 $0x4000, s31;
	s1 =	sadd.s32 s1, s30  }
0xb9: {  	s0 =	sor.u32 s3, s0;
	s1 =	sshll.u32 s1, $0x11  }
0xba: {  	s0 =	sor.u32 s1, s0  }
0xbb: {  	s0 =	sadd.s32 $0x8F2B, s0  }
0xbc: {  	[sflag:s0] =	ssyncadd.remote.s32 $0x1  }
0xbd: {  	_ =	sfence.sel $0xFFFF  }
0xbe: {  	[dreg:$0x0] =	wrdreg $0xFFFFFFFF;
	(pc) =	sbr.abs _section_cstart, $3  }
0xbf: {  	[dreg:$0x1] =	wrdreg $0xFFFFFFFF  }
0xc0: {  	_ =	task.clear_ibuf [dreg:s6], $0x2FFFF;
	_ =	strace $0x9FFFFFFF  }
0xc1: {  	(tm) =	ssettm $0x7FFFFFFF  }
tec
execute0_lowered:
.L_overlay_start_1:
0x0: {  	(tag) =	ssettag $0x1  }
0x1: {  	s3 =	rddreg [dreg:$0x0]  }
0x2: {  	s0 =	rddreg [dreg:$0x1]  }
0x3: {  	s1 =	stileid.u32;
	s2 =	simm.s32 $0x0;
	s4 =	srdreg.scid  }
0x4: {  	s9 =	simm.s32 $0x2780;
	s10 =	simm.s32 $0x0;
	s5 =	sshrl.u32 s1, $0x2  }
0x5: {  	s4 =	sand.u32 $0x1, s4;
	s6 =	sshll.u32 s1, $0x8;
	[smem:$0x7FF] =	sst s2  }
0x6: {  	s7 =	smul.u32 $0x13C00, s5;
	s8 =	sshll.u32 s4, $0x7;
	s6 =	sand.u32 $0x300, s6  }
0x7: {  	s5 =	smul.u32 $0x14000, s5;
	s4 =	ssub.s32 $0x2, s4;
	s6 =	sor.u32 s8, s6  }
0x8: {  	_ =	strace $0x80000047;
	s30 =	sshrl.u32 s4, $0x1;
	s7 =	sor.u32 s7, s6  }
0x9: {  	s8 =	simm.s32 $0x1;
	s5 =	sor.u32 s5, s6;
	s29 =	sshrl.u32 s7, $0x3  }
0xa: {  	s31 =	ssub.s32 s4, s30;
	s5 =	sshrl.u32 s5, $0x3;
	s6 =	sadd.s32 s29, s3  }
0xb: {  	s7 =	simm.s32 $0x400;
	s5 =	sadd.s32 s5, s3;
	s3 =	sadd.s32 $0x2A00, s6  }
0xc: {  	v0 =	vimm.f32 $0.0e+00;
	v1 =	vimm.f32 $1.000000000e+00;
	s4 =	sadd.s32 $0xC800, s5;
	s5 =	smax.u32 s31, $0x1;
	s6 =	simm.s32 $0x80  }
.LBB2_1:
0xd: {  	[tilespmem:s2], [sflag:$0x1] =	stream.strided.gather [hbm4b:s3+s6], $0x2780, s7, s6, $0x38;
	[tilespmem:$0x4F80] =	vst v63  }
0xe: {  	_ =	swait.ge [sflag:s8], $0x2780  }
0xf: {  	[sflag:s8] =	ssyncset.done $0x0  }
0x10: {  	s11 =	simm.s32 $0x0;
	[sflag:s8] =	ssyncadd.s32 $0xFFFFD880  }
.LBB2_2:
0x11: {  	p0 =	sne.s32 s11, $0x9FC0  }
.Ltmp0:
0x12: {  	_ = 	snop;
	(pc) =	sbr.rel @p0 .LBB2_2-.Ltmp0, $3  }
0x13: {  	_ =	sdelay $0x1  }
0x14: {  	s12 =	sshra.s32 s11, $0x2  }
0x15: {  	s11 =	sadd.s32 $0x40, s11;
	[tilespmem:s12+$0x2780] =	vst v0  }
0x16: {  	s12 =	simm.s32 $0x0;
	s11 =	simm.s32 $0x40  }
.LBB2_4:
0x17: {  	p0 =	sne.s32 s11, $0x9DC0;
	v2 =	vld [tilespmem:s12+$0x0];
	_ =	sdelay $0x3  }
.Ltmp1:
0x18: {  	(pc) =	sbr.rel @p0 .LBB2_4-.Ltmp1, $2  }
0x19: {  	_ =	sdelay $0x2  }
0x1a: {  	s12 =	sshra.s32 s11, $0x2;
	s11 =	sadd.s32 $0x40, s11;
	[tilespmem:v2+s9+$0x0] =	vst.idx.add.f32.msk $0xffff, v1  }
0x1b: {  	v2 =	vld [tilespmem:s12+$0x0];
	_ =	sdelay $0x5  }
0x1c: {  	s10 =	sadd.s32 $0x1, s10  }
0x1d: {  	p0 =	sne.s32 s10, s5  }
.Ltmp2:
0x1e: {  	[tilespmem:v2+s9+$0x0] =	vst.idx.add.f32.msk $0xffff, v1;
	(pc) =	sbr.rel @p0 .LBB2_1-.Ltmp2, $4  }
0x1f: {  	[hbm4b:s4+s6] =	stream.strided.scatter [tilespmem:s9], [sflag:$0x1], $0x2800, s7, s6, $0x38;
	[tilespmem:$0x4F80] =	vst v63  }
0x20: {  	_ =	swait.ge [sflag:s8], $0x2800  }
0x21: {  	[sflag:s8] =	ssyncset.done $0x0  }
0x22: {  	[sflag:s8] =	ssyncadd.s32 $0xFFFFD800  }
0x23: {  	_ =	sfence.sel $0x180000  }
0x24: {  	[bflag:$0x0] =	sbarrier.arrive $0xFFFF  }
0x25: {  	p0 =	sne.s32 s1, $0x0;
	_ =	strace $0x90000047  }
0x26: {  	s0 =	sadd.s32 @!p0 $0x100000, s0;
	[bflag:$0x2] =	sbarrier.arrive $0xFFFF  }
0x27: {  	[sflag:s0] =	ssyncadd.tile.s32 @!p0 $0x1;
	_ =	shalt  }
.Lfunc_end2:
_tile_overlayer_lowered:
.L_overlay_start_2:
0x28: {  	(tag) =	ssettag $0x2  }
0x29: {  	s0 =	rddreg [dreg:$0x0];
	s2 =	stileid.u32  }
0x2a: {  	s1 =	rddreg [dreg:$0x1];
	p0 =	sne.s32 s2, $0x0  }
0x2b: {  	s3 =	rddreg [dreg:$0x2];
	[bflag:$0x3] =	sbarrier.arrive $0xFFFF;
	s2 =	simm.s32 @!p0 $0x1C01  }
0x2c: {  	[timem:s3], [sflag:s2] =	dma.local @!p0 [hbm:s0], s1  }
0x2d: {  	s0 =	simm.s32 @!p0 $0x1  }
0x2e: {  	_ =	swait.ge @!p0 [sflag:s0], s1  }
0x2f: {  	s1 =	ssub.s32 @!p0 $0x0, s1;
	[sflag:s0] =	ssyncset.done @!p0 $0x0  }
0x30: {  	[sflag:s0] =	ssyncadd.s32 @!p0 s1  }
0x31: {  	[bflag:$0x3] =	sbarrier.arrive $0xFFFF  }
0x32: {  	_ =	shalt  }

</sc_bundles>
